<compile_context>
chip_gen: v7x
topology: tpu7x:2x2x1
jax: 0.10.2.dev20260603
libtpu: 0.0.44.dev20260713+nightly
codegen_flags: <defaults>
</compile_context>

<pallas_src>
import functools

import jax
import jax.numpy as jnp
from jax import lax
from jax.experimental import pallas as pl
from jax.experimental.pallas import tpu as pltpu
from jax.experimental.pallas import tpu_sc as plsc

BATCH = 4096
DIM = 128
BLK = 1024
NBLK = BATCH // BLK
NSTEPS = NBLK * (NBLK + 1) // 2
_OFFS = [0, 4, 7, 9]

_NC, _NS, _NL = 1, 16, 16
_NW = _NC * _NS
_LPW = BATCH // _NW
_HBINS = 1024


def _tri_ij(t):
    i = ((t >= _OFFS[1]).astype(jnp.int32)
         + (t >= _OFFS[2]).astype(jnp.int32)
         + (t >= _OFFS[3]).astype(jnp.int32))
    off = ((t >= _OFFS[1]).astype(jnp.int32) * (_OFFS[1] - _OFFS[0])
           + (t >= _OFFS[2]).astype(jnp.int32) * (_OFFS[2] - _OFFS[1])
           + (t >= _OFFS[3]).astype(jnp.int32) * (_OFFS[3] - _OFFS[2]))
    j = t - off + i
    return i, j


def _loss_body(a_ref, b_ref, lab_i_ref, lab_j_ref, out_ref, acc_ref):
    t = pl.program_id(0)
    i, j = _tri_ij(t)

    @pl.when(t == 0)
    def _init():
        acc_ref[...] = jnp.zeros(acc_ref.shape, acc_ref.dtype)

    a = a_ref[...]
    b = b_ref[...]
    g2 = jax.lax.dot_general(
        a * (-2.0), b, dimension_numbers=(((1,), (1,)), ((), ())),
        preferred_element_type=jnp.float32)
    an = jnp.sum(a * a, axis=1, keepdims=True)
    bn = jnp.sum(b * b, axis=1)[None, :]
    sq = (an + bn) + g2
    sq_bf = sq.astype(jnp.bfloat16)
    eps = jnp.bfloat16(1e-16)
    m = jnp.where(sq_bf > eps, sq_bf, eps)
    dist_bf = m * jax.lax.rsqrt(m)

    pos_m = lab_i_ref[...] == lab_j_ref[...]
    pos_fb = jnp.where(pos_m, 1.0, 0.0).astype(jnp.bfloat16)
    omfb = jnp.bfloat16(1.0) - pos_fb
    zero = jnp.zeros((), jnp.bfloat16)
    tneg_bf = jnp.bfloat16(1.0) - dist_bf
    trm16 = tneg_bf > zero
    u = tneg_bf * omfb
    r1 = dist_bf * pos_fb
    r3 = jnp.where(trm16, u, zero)
    r4 = jnp.where(trm16, omfb, zero)

    ones_row = jnp.ones((1, BLK), jnp.bfloat16)

    def colsum(x):
        return jax.lax.dot_general(
            ones_row, x, dimension_numbers=(((1,), (0,)), ((), ())),
            preferred_element_type=jnp.float32)

    w = jnp.where(i == j, 1.0, 2.0)
    acc_ref[0:1, :] = acc_ref[0:1, :] + w * colsum(r1)
    acc_ref[2:3, :] = acc_ref[2:3, :] + w * colsum(r3)
    acc_ref[3:4, :] = acc_ref[3:4, :] + w * colsum(r4)

    @pl.when(t == NSTEPS - 1)
    def _fini():
        out_ref[0] = jnp.sum(acc_ref[0:1, :])
        out_ref[1] = jnp.sum(acc_ref[2:3, :])
        out_ref[2] = jnp.sum(acc_ref[3:4, :])


def _tc_sums(emb, lab_col, lab_row):
    return pl.pallas_call(
        _loss_body,
        grid=(NSTEPS,),
        in_specs=[
            pl.BlockSpec((BLK, DIM), lambda t: (_tri_ij(t)[0], 0)),
            pl.BlockSpec((BLK, DIM), lambda t: (_tri_ij(t)[1], 0)),
            pl.BlockSpec((BLK, 1), lambda t: (_tri_ij(t)[0], 0)),
            pl.BlockSpec((1, BLK), lambda t: (0, _tri_ij(t)[1])),
        ],
        out_specs=pl.BlockSpec(memory_space=pltpu.SMEM),
        out_shape=jax.ShapeDtypeStruct((4,), jnp.float32),
        scratch_shapes=[pltpu.VMEM((8, BLK), jnp.float32)],
    )(emb, emb, lab_col, lab_row)


_sc_mesh = plsc.VectorSubcoreMesh(core_axis_name="c", subcore_axis_name="s", num_cores=1)


@functools.partial(
    pl.kernel,
    out_type=jax.ShapeDtypeStruct((_NL,), jnp.float32),
    mesh=_sc_mesh,
    scratch_types=[
        pltpu.VMEM((_LPW,), jnp.int32),
        pltpu.VMEM((_LPW,), jnp.float32),
        pltpu.VMEM((_HBINS,), jnp.float32),
        pltpu.VMEM_SHARED((_HBINS,), jnp.float32),
        pltpu.VMEM((_NL,), jnp.float32),
    ],
)
def _pos_cnt_sc(lab_hbm, out_hbm, idx_v, ones_v, hist_v, shared_h, acc_v):
    wid = lax.axis_index("s") * _NC + lax.axis_index("c")

    for k in range(_LPW // _NL):
        ones_v[pl.ds(k * _NL, _NL)] = jnp.ones((_NL,), jnp.float32)
    for k in range(_HBINS // _NL):
        hist_v[pl.ds(k * _NL, _NL)] = jnp.zeros((_NL,), jnp.float32)

    @pl.when(wid == 0)
    def _zero_shared():
        pltpu.sync_copy(hist_v, shared_h)

    plsc.subcore_barrier()
    pltpu.sync_copy(lab_hbm.at[pl.ds(wid * _LPW, _LPW)], idx_v)
    pltpu.sync_copy(ones_v, shared_h.at[idx_v], add=True)
    plsc.subcore_barrier()

    @pl.when(wid == 0)
    def _square_sum():
        pltpu.sync_copy(shared_h, hist_v)
        acc_v[...] = jnp.zeros((_NL,), jnp.float32)
        for k in range(_HBINS // _NL):
            h = hist_v[pl.ds(k * _NL, _NL)]
            acc_v[...] = acc_v[...] + h * h
        pltpu.sync_copy(acc_v, out_hbm)


def kernel(embeddings, labels):
    emb = embeddings.astype(jnp.float32)
    lab = labels.astype(jnp.int32)
    lab_col = lab.reshape(BATCH, 1)
    lab_row = lab.reshape(1, BATCH)
    sums = _tc_sums(emb, lab_col, lab_row)
    pos_cnt = jnp.sum(_pos_cnt_sc(lab))
    pos_avg = sums[0] / jnp.maximum(pos_cnt, 1.0)
    neg_avg = sums[1] / jnp.maximum(sums[2], 1.0)
    return pos_avg + neg_avg

# --- scband reference (transcript-rebuilt; emitter-appended) ---
"""Pipeline reference for scband-cross-batch-memory-27092653703184 (READ-ONLY COPY).

The authoritative reference and input builder live on the scoring server;
editing this copy changes nothing except your own understanding.
"""

import jax, jax.numpy as jnp
import numpy as np

BATCH = 4096
DIM = 128
NUM_CLASSES = 1000


def setup_inputs(seed: int = 0) -> dict:
    key = jax.random.key(seed)
    k1, k2 = jax.random.split(key)
    embeddings = jax.random.normal(k1, (BATCH, DIM), dtype=jnp.float32)
    labels = jax.random.randint(k2, (BATCH,), 0, NUM_CLASSES, dtype=jnp.int64)
    return {"embeddings": embeddings, "labels": labels}


def reference(embeddings, labels):
    # CrossBatchMemory starts with an empty queue (queue_idx=0, not filled).
    # add_to_memory writes detach(embeddings) into memory[0:batch], then
    # E_mem = memory[:queue_idx] == stop_gradient(embeddings), L_mem == labels.
    batch = embeddings.shape[0]
    E_mem = jax.lax.stop_gradient(embeddings)
    L_mem = labels
    combined_emb = jnp.concatenate([embeddings, E_mem], axis=0)
    combined_labels = jnp.concatenate([labels, L_mem], axis=0)
    # get_all_pairs_indices(labels, L_mem) + shift_indices_tuple: anchors come
    # from the batch part [0, batch), positives/negatives from the memory part
    # [batch, batch+mem). Equivalent masked formulation below.
    anchors = combined_emb[:batch]
    refs = combined_emb[batch:]
    # LpDistance (p=2) pairwise distance matrix [batch, mem]
    sq = (jnp.sum(anchors * anchors, axis=1, keepdims=True)
          - 2.0 * anchors @ refs.T
          + jnp.sum(refs * refs, axis=1)[None, :])
    dist = jnp.sqrt(jnp.maximum(sq, 1e-16))
    pos_mask = combined_labels[:batch][:, None] == combined_labels[batch:][None, :]
    neg_mask = jnp.logical_not(pos_mask)
    pos_margin = 0.0
    neg_margin = 1.0
    pos_loss = jnp.maximum(dist - pos_margin, 0.0) * pos_mask.astype(dist.dtype)
    neg_loss = jnp.maximum(neg_margin - dist, 0.0) * neg_mask.astype(dist.dtype)
    # AvgNonZeroReducer: mean over pairs with strictly positive loss, per term
    pos_nz = jnp.sum((pos_loss > 0) & pos_mask)
    neg_nz = jnp.sum((neg_loss > 0) & neg_mask)
    pos_avg = jnp.sum(pos_loss) / jnp.maximum(pos_nz, 1).astype(dist.dtype)
    neg_avg = jnp.sum(neg_loss) / jnp.maximum(neg_nz, 1).astype(dist.dtype)
    return pos_avg + neg_avg

if __name__ == "__main__":
    import jax
    _d = setup_inputs()
    print(jax.jit(kernel)(*tuple(_d.values())))

</pallas_src>

<mosaic_0001>
#map = affine_map<(d0, d1) -> (0)>
module attributes {stable_mosaic.version = 14 : i64} {
  func.func @_pos_cnt_sc(%arg0: i32, %arg1: i32, %arg2: memref<4096xi32, #tpu.memory_space<hbm>>, %arg3: memref<16xf32, #tpu.memory_space<hbm>>, %arg4: memref<256xi32, #tpu.memory_space<vmem>>, %arg5: memref<256xf32, #tpu.memory_space<vmem>>, %arg6: memref<1024xf32, #tpu.memory_space<vmem>>, %arg7: memref<1024xf32, #tpu.memory_space<vmem_shared>>, %arg8: memref<16xf32, #tpu.memory_space<vmem>>) attributes {dimension_semantics = [#tpu.dimension_semantics<core_parallel>, #tpu.dimension_semantics<subcore_parallel>], iteration_bounds = array<i64: 1, 16>, scalar_prefetch = 0 : i64, scratch_operands = 5 : i64, tpu.core_type = #tpu.core_type<sc_vector_subcore>, window_params = [{transform_indices = #map}, {transform_indices = #map}]} {
    %mul3A = arith.constant 1 : i32
    %mul3A_0 = arith.muli %arg1, %mul3A : i32
    %add3A = arith.addi %mul3A_0, %arg0 : i32
    %broadcast_in_dim3A = arith.constant 1.000000e+00 : f32
    %broadcast_in_dim3A_1 = vector.broadcast %broadcast_in_dim3A : f32 to vector<16xf32>
    %swap3A = arith.constant 0 : index
    %swap3A_2 = tpu.vector_load %arg5[%swap3A] {strides = array<i32>} : memref<256xf32, #tpu.memory_space<vmem>>, vector<16xf32>,
    %swap3A_3 = vector.shape_cast %swap3A_2 : vector<16xf32> to vector<16xf32>
    %swap3A_4 = vector.shape_cast %broadcast_in_dim3A_1 : vector<16xf32> to vector<16xf32>
    tpu.vector_store %arg5[%swap3A], %swap3A_4 {strides = array<i32>} : memref<256xf32, #tpu.memory_space<vmem>>, vector<16xf32>,
    %broadcast_in_dim3A_5 = arith.constant 1.000000e+00 : f32
    %broadcast_in_dim3A_6 = vector.broadcast %broadcast_in_dim3A_5 : f32 to vector<16xf32>
    %swap3A_7 = arith.constant 16 : index
    %swap3A_8 = tpu.vector_load %arg5[%swap3A_7] {strides = array<i32>} : memref<256xf32, #tpu.memory_space<vmem>>, vector<16xf32>,
    %swap3A_9 = vector.shape_cast %swap3A_8 : vector<16xf32> to vector<16xf32>
    %swap3A_10 = vector.shape_cast %broadcast_in_dim3A_6 : vector<16xf32> to vector<16xf32>
    tpu.vector_store %arg5[%swap3A_7], %swap3A_10 {strides = array<i32>} : memref<256xf32, #tpu.memory_space<vmem>>, vector<16xf32>,
    %broadcast_in_dim3A_11 = arith.constant 1.000000e+00 : f32
    %broadcast_in_dim3A_12 = vector.broadcast %broadcast_in_dim3A_11 : f32 to vector<16xf32>
    %swap3A_13 = arith.constant 32 : index
    %swap3A_14 = tpu.vector_load %arg5[%swap3A_13] {strides = array<i32>} : memref<256xf32, #tpu.memory_space<vmem>>, vector<16xf32>,
    %swap3A_15 = vector.shape_cast %swap3A_14 : vector<16xf32> to vector<16xf32>
    %swap3A_16 = vector.shape_cast %broadcast_in_dim3A_12 : vector<16xf32> to vector<16xf32>
    tpu.vector_store %arg5[%swap3A_13], %swap3A_16 {strides = array<i32>} : memref<256xf32, #tpu.memory_space<vmem>>, vector<16xf32>,
    %broadcast_in_dim3A_17 = arith.constant 1.000000e+00 : f32
    %broadcast_in_dim3A_18 = vector.broadcast %broadcast_in_dim3A_17 : f32 to vector<16xf32>
    %swap3A_19 = arith.constant 48 : index
    %swap3A_20 = tpu.vector_load %arg5[%swap3A_19] {strides = array<i32>} : memref<256xf32, #tpu.memory_space<vmem>>, vector<16xf32>,
    %swap3A_21 = vector.shape_cast %swap3A_20 : vector<16xf32> to vector<16xf32>
    %swap3A_22 = vector.shape_cast %broadcast_in_dim3A_18 : vector<16xf32> to vector<16xf32>
    tpu.vector_store %arg5[%swap3A_19], %swap3A_22 {strides = array<i32>} : memref<256xf32, #tpu.memory_space<vmem>>, vector<16xf32>,
    %broadcast_in_dim3A_23 = arith.constant 1.000000e+00 : f32
    %broadcast_in_dim3A_24 = vector.broadcast %broadcast_in_dim3A_23 : f32 to vector<16xf32>
    %swap3A_25 = arith.constant 64 : index
    %swap3A_26 = tpu.vector_load %arg5[%swap3A_25] {strides = array<i32>} : memref<256xf32, #tpu.memory_space<vmem>>, vector<16xf32>,
    %swap3A_27 = vector.shape_cast %swap3A_26 : vector<16xf32> to vector<16xf32>
    %swap3A_28 = vector.shape_cast %broadcast_in_dim3A_24 : vector<16xf32> to vector<16xf32>
    tpu.vector_store %arg5[%swap3A_25], %swap3A_28 {strides = array<i32>} : memref<256xf32, #tpu.memory_space<vmem>>, vector<16xf32>,
    %broadcast_in_dim3A_29 = arith.constant 1.000000e+00 : f32
    %broadcast_in_dim3A_30 = vector.broadcast %broadcast_in_dim3A_29 : f32 to vector<16xf32>
    %swap3A_31 = arith.constant 80 : index
    %swap3A_32 = tpu.vector_load %arg5[%swap3A_31] {strides = array<i32>} : memref<256xf32, #tpu.memory_space<vmem>>, vector<16xf32>,
    %swap3A_33 = vector.shape_cast %swap3A_32 : vector<16xf32> to vector<16xf32>
    %swap3A_34 = vector.shape_cast %broadcast_in_dim3A_30 : vector<16xf32> to vector<16xf32>
    tpu.vector_store %arg5[%swap3A_31], %swap3A_34 {strides = array<i32>} : memref<256xf32, #tpu.memory_space<vmem>>, vector<16xf32>,
    %broadcast_in_dim3A_35 = arith.constant 1.000000e+00 : f32
    %broadcast_in_dim3A_36 = vector.broadcast %broadcast_in_dim3A_35 : f32 to vector<16xf32>
    %swap3A_37 = arith.constant 96 : index
    %swap3A_38 = tpu.vector_load %arg5[%swap3A_37] {strides = array<i32>} : memref<256xf32, #tpu.memory_space<vmem>>, vector<16xf32>,
    %swap3A_39 = vector.shape_cast %swap3A_38 : vector<16xf32> to vector<16xf32>
    %swap3A_40 = vector.shape_cast %broadcast_in_dim3A_36 : vector<16xf32> to vector<16xf32>
    tpu.vector_store %arg5[%swap3A_37], %swap3A_40 {strides = array<i32>} : memref<256xf32, #tpu.memory_space<vmem>>, vector<16xf32>,
    %broadcast_in_dim3A_41 = arith.constant 1.000000e+00 : f32
    %broadcast_in_dim3A_42 = vector.broadcast %broadcast_in_dim3A_41 : f32 to vector<16xf32>
    %swap3A_43 = arith.constant 112 : index
    %swap3A_44 = tpu.vector_load %arg5[%swap3A_43] {strides = array<i32>} : memref<256xf32, #tpu.memory_space<vmem>>, vector<16xf32>,
    %swap3A_45 = vector.shape_cast %swap3A_44 : vector<16xf32> to vector<16xf32>
    %swap3A_46 = vector.shape_cast %broadcast_in_dim3A_42 : vector<16xf32> to vector<16xf32>
    tpu.vector_store %arg5[%swap3A_43], %swap3A_46 {strides = array<i32>} : memref<256xf32, #tpu.memory_space<vmem>>, vector<16xf32>,
    %broadcast_in_dim3A_47 = arith.constant 1.000000e+00 : f32
    %broadcast_in_dim3A_48 = vector.broadcast %broadcast_in_dim3A_47 : f32 to vector<16xf32>
    %swap3A_49 = arith.constant 128 : index
    %swap3A_50 = tpu.vector_load %arg5[%swap3A_49] {strides = array<i32>} : memref<256xf32, #tpu.memory_space<vmem>>, vector<16xf32>,
    %swap3A_51 = vector.shape_cast %swap3A_50 : vector<16xf32> to vector<16xf32>
    %swap3A_52 = vector.shape_cast %broadcast_in_dim3A_48 : vector<16xf32> to vector<16xf32>
    tpu.vector_store %arg5[%swap3A_49], %swap3A_52 {strides = array<i32>} : memref<256xf32, #tpu.memory_space<vmem>>, vector<16xf32>,
    %broadcast_in_dim3A_53 = arith.constant 1.000000e+00 : f32
    %broadcast_in_dim3A_54 = vector.broadcast %broadcast_in_dim3A_53 : f32 to vector<16xf32>
    %swap3A_55 = arith.constant 144 : index
    %swap3A_56 = tpu.vector_load %arg5[%swap3A_55] {strides = array<i32>} : memref<256xf32, #tpu.memory_space<vmem>>, vector<16xf32>,
    %swap3A_57 = vector.shape_cast %swap3A_56 : vector<16xf32> to vector<16xf32>
    %swap3A_58 = vector.shape_cast %broadcast_in_dim3A_54 : vector<16xf32> to vector<16xf32>
    tpu.vector_store %arg5[%swap3A_55], %swap3A_58 {strides = array<i32>} : memref<256xf32, #tpu.memory_space<vmem>>, vector<16xf32>,
    %broadcast_in_dim3A_59 = arith.constant 1.000000e+00 : f32
    %broadcast_in_dim3A_60 = vector.broadcast %broadcast_in_dim3A_59 : f32 to vector<16xf32>
    %swap3A_61 = arith.constant 160 : index
    %swap3A_62 = tpu.vector_load %arg5[%swap3A_61] {strides = array<i32>} : memref<256xf32, #tpu.memory_space<vmem>>, vector<16xf32>,
    %swap3A_63 = vector.shape_cast %swap3A_62 : vector<16xf32> to vector<16xf32>
    %swap3A_64 = vector.shape_cast %broadcast_in_dim3A_60 : vector<16xf32> to vector<16xf32>
    tpu.vector_store %arg5[%swap3A_61], %swap3A_64 {strides = array<i32>} : memref<256xf32, #tpu.memory_space<vmem>>, vector<16xf32>,
    %broadcast_in_dim3A_65 = arith.constant 1.000000e+00 : f32
    %broadcast_in_dim3A_66 = vector.broadcast %broadcast_in_dim3A_65 : f32 to vector<16xf32>
    %swap3A_67 = arith.constant 176 : index
    %swap3A_68 = tpu.vector_load %arg5[%swap3A_67] {strides = array<i32>} : memref<256xf32, #tpu.memory_space<vmem>>, vector<16xf32>,
    %swap3A_69 = vector.shape_cast %swap3A_68 : vector<16xf32> to vector<16xf32>
    %swap3A_70 = vector.shape_cast %broadcast_in_dim3A_66 : vector<16xf32> to vector<16xf32>
    tpu.vector_store %arg5[%swap3A_67], %swap3A_70 {strides = array<i32>} : memref<256xf32, #tpu.memory_space<vmem>>, vector<16xf32>,
    %broadcast_in_dim3A_71 = arith.constant 1.000000e+00 : f32
    %broadcast_in_dim3A_72 = vector.broadcast %broadcast_in_dim3A_71 : f32 to vector<16xf32>
    %swap3A_73 = arith.constant 192 : index
    %swap3A_74 = tpu.vector_load %arg5[%swap3A_73] {strides = array<i32>} : memref<256xf32, #tpu.memory_space<vmem>>, vector<16xf32>,
    %swap3A_75 = vector.shape_cast %swap3A_74 : vector<16xf32> to vector<16xf32>
    %swap3A_76 = vector.shape_cast %broadcast_in_dim3A_72 : vector<16xf32> to vector<16xf32>
    tpu.vector_store %arg5[%swap3A_73], %swap3A_76 {strides = array<i32>} : memref<256xf32, #tpu.memory_space<vmem>>, vector<16xf32>,
    %broadcast_in_dim3A_77 = arith.constant 1.000000e+00 : f32
    %broadcast_in_dim3A_78 = vector.broadcast %broadcast_in_dim3A_77 : f32 to vector<16xf32>
    %swap3A_79 = arith.constant 208 : index
    %swap3A_80 = tpu.vector_load %arg5[%swap3A_79] {strides = array<i32>} : memref<256xf32, #tpu.memory_space<vmem>>, vector<16xf32>,
    %swap3A_81 = vector.shape_cast %swap3A_80 : vector<16xf32> to vector<16xf32>
    %swap3A_82 = vector.shape_cast %broadcast_in_dim3A_78 : vector<16xf32> to vector<16xf32>
    tpu.vector_store %arg5[%swap3A_79], %swap3A_82 {strides = array<i32>} : memref<256xf32, #tpu.memory_space<vmem>>, vector<16xf32>,
    %broadcast_in_dim3A_83 = arith.constant 1.000000e+00 : f32
    %broadcast_in_dim3A_84 = vector.broadcast %broadcast_in_dim3A_83 : f32 to vector<16xf32>
    %swap3A_85 = arith.constant 224 : index
    %swap3A_86 = tpu.vector_load %arg5[%swap3A_85] {strides = array<i32>} : memref<256xf32, #tpu.memory_space<vmem>>, vector<16xf32>,
    %swap3A_87 = vector.shape_cast %swap3A_86 : vector<16xf32> to vector<16xf32>
    %swap3A_88 = vector.shape_cast %broadcast_in_dim3A_84 : vector<16xf32> to vector<16xf32>
    tpu.vector_store %arg5[%swap3A_85], %swap3A_88 {strides = array<i32>} : memref<256xf32, #tpu.memory_space<vmem>>, vector<16xf32>,
    %broadcast_in_dim3A_89 = arith.constant 1.000000e+00 : f32
    %broadcast_in_dim3A_90 = vector.broadcast %broadcast_in_dim3A_89 : f32 to vector<16xf32>
    %swap3A_91 = arith.constant 240 : index
    %swap3A_92 = tpu.vector_load %arg5[%swap3A_91] {strides = array<i32>} : memref<256xf32, #tpu.memory_space<vmem>>, vector<16xf32>,
    %swap3A_93 = vector.shape_cast %swap3A_92 : vector<16xf32> to vector<16xf32>
    %swap3A_94 = vector.shape_cast %broadcast_in_dim3A_90 : vector<16xf32> to vector<16xf32>
    tpu.vector_store %arg5[%swap3A_91], %swap3A_94 {strides = array<i32>} : memref<256xf32, #tpu.memory_space<vmem>>, vector<16xf32>,
    %broadcast_in_dim3A_95 = arith.constant 0.000000e+00 : f32
    %broadcast_in_dim3A_96 = vector.broadcast %broadcast_in_dim3A_95 : f32 to vector<16xf32>
    %swap3A_97 = arith.constant 0 : index
    %swap3A_98 = tpu.vector_load %arg6[%swap3A_97] {strides = array<i32>} : memref<1024xf32, #tpu.memory_space<vmem>>, vector<16xf32>,
    %swap3A_99 = vector.shape_cast %swap3A_98 : vector<16xf32> to vector<16xf32>
    %swap3A_100 = vector.shape_cast %broadcast_in_dim3A_96 : vector<16xf32> to vector<16xf32>
    tpu.vector_store %arg6[%swap3A_97], %swap3A_100 {strides = array<i32>} : memref<1024xf32, #tpu.memory_space<vmem>>, vector<16xf32>,
    %broadcast_in_dim3A_101 = arith.constant 0.000000e+00 : f32
    %broadcast_in_dim3A_102 = vector.broadcast %broadcast_in_dim3A_101 : f32 to vector<16xf32>
    %swap3A_103 = arith.constant 16 : index
    %swap3A_104 = tpu.vector_load %arg6[%swap3A_103] {strides = array<i32>} : memref<1024xf32, #tpu.memory_space<vmem>>, vector<16xf32>,
    %swap3A_105 = vector.shape_cast %swap3A_104 : vector<16xf32> to vector<16xf32>
    %swap3A_106 = vector.shape_cast %broadcast_in_dim3A_102 : vector<16xf32> to vector<16xf32>
    tpu.vector_store %arg6[%swap3A_103], %swap3A_106 {strides = array<i32>} : memref<1024xf32, #tpu.memory_space<vmem>>, vector<16xf32>,
    %broadcast_in_dim3A_107 = arith.constant 0.000000e+00 : f32
    %broadcast_in_dim3A_108 = vector.broadcast %broadcast_in_dim3A_107 : f32 to vector<16xf32>
    %swap3A_109 = arith.constant 32 : index
    %swap3A_110 = tpu.vector_load %arg6[%swap3A_109] {strides = array<i32>} : memref<1024xf32, #tpu.memory_space<vmem>>, vector<16xf32>,
    %swap3A_111 = vector.shape_cast %swap3A_110 : vector<16xf32> to vector<16xf32>
    %swap3A_112 = vector.shape_cast %broadcast_in_dim3A_108 : vector<16xf32> to vector<16xf32>
    tpu.vector_store %arg6[%swap3A_109], %swap3A_112 {strides = array<i32>} : memref<1024xf32, #tpu.memory_space<vmem>>, vector<16xf32>,
    %broadcast_in_dim3A_113 = arith.constant 0.000000e+00 : f32
    %broadcast_in_dim3A_114 = vector.broadcast %broadcast_in_dim3A_113 : f32 to vector<16xf32>
    %swap3A_115 = arith.constant 48 : index
    %swap3A_116 = tpu.vector_load %arg6[%swap3A_115] {strides = array<i32>} : memref<1024xf32, #tpu.memory_space<vmem>>, vector<16xf32>,
    %swap3A_117 = vector.shape_cast %swap3A_116 : vector<16xf32> to vector<16xf32>
    %swap3A_118 = vector.shape_cast %broadcast_in_dim3A_114 : vector<16xf32> to vector<16xf32>
    tpu.vector_store %arg6[%swap3A_115], %swap3A_118 {strides = array<i32>} : memref<1024xf32, #tpu.memory_space<vmem>>, vector<16xf32>,
    %broadcast_in_dim3A_119 = arith.constant 0.000000e+00 : f32
    %broadcast_in_dim3A_120 = vector.broadcast %broadcast_in_dim3A_119 : f32 to vector<16xf32>
    %swap3A_121 = arith.constant 64 : index
    %swap3A_122 = tpu.vector_load %arg6[%swap3A_121] {strides = array<i32>} : memref<1024xf32, #tpu.memory_space<vmem>>, vector<16xf32>,
    %swap3A_123 = vector.shape_cast %swap3A_122 : vector<16xf32> to vector<16xf32>
    %swap3A_124 = vector.shape_cast %broadcast_in_dim3A_120 : vector<16xf32> to vector<16xf32>
    tpu.vector_store %arg6[%swap3A_121], %swap3A_124 {strides = array<i32>} : memref<1024xf32, #tpu.memory_space<vmem>>, vector<16xf32>,
    %broadcast_in_dim3A_125 = arith.constant 0.000000e+00 : f32
    %broadcast_in_dim3A_126 = vector.broadcast %broadcast_in_dim3A_125 : f32 to vector<16xf32>
    %swap3A_127 = arith.constant 80 : index
    %swap3A_128 = tpu.vector_load %arg6[%swap3A_127] {strides = array<i32>} : memref<1024xf32, #tpu.memory_space<vmem>>, vector<16xf32>,
    %swap3A_129 = vector.shape_cast %swap3A_128 : vector<16xf32> to vector<16xf32>
    %swap3A_130 = vector.shape_cast %broadcast_in_dim3A_126 : vector<16xf32> to vector<16xf32>
    tpu.vector_store %arg6[%swap3A_127], %swap3A_130 {strides = array<i32>} : memref<1024xf32, #tpu.memory_space<vmem>>, vector<16xf32>,
    %broadcast_in_dim3A_131 = arith.constant 0.000000e+00 : f32
    %broadcast_in_dim3A_132 = vector.broadcast %broadcast_in_dim3A_131 : f32 to vector<16xf32>
    %swap3A_133 = arith.constant 96 : index
    %swap3A_134 = tpu.vector_load %arg6[%swap3A_133] {strides = array<i32>} : memref<1024xf32, #tpu.memory_space<vmem>>, vector<16xf32>,
    %swap3A_135 = vector.shape_cast %swap3A_134 : vector<16xf32> to vector<16xf32>
    %swap3A_136 = vector.shape_cast %broadcast_in_dim3A_132 : vector<16xf32> to vector<16xf32>
    tpu.vector_store %arg6[%swap3A_133], %swap3A_136 {strides = array<i32>} : memref<1024xf32, #tpu.memory_space<vmem>>, vector<16xf32>,
    %broadcast_in_dim3A_137 = arith.constant 0.000000e+00 : f32
    %broadcast_in_dim3A_138 = vector.broadcast %broadcast_in_dim3A_137 : f32 to vector<16xf32>
    %swap3A_139 = arith.constant 112 : index
    %swap3A_140 = tpu.vector_load %arg6[%swap3A_139] {strides = array<i32>} : memref<1024xf32, #tpu.memory_space<vmem>>, vector<16xf32>,
    %swap3A_141 = vector.shape_cast %swap3A_140 : vector<16xf32> to vector<16xf32>
    %swap3A_142 = vector.shape_cast %broadcast_in_dim3A_138 : vector<16xf32> to vector<16xf32>
    tpu.vector_store %arg6[%swap3A_139], %swap3A_142 {strides = array<i32>} : memref<1024xf32, #tpu.memory_space<vmem>>, vector<16xf32>,
    %broadcast_in_dim3A_143 = arith.constant 0.000000e+00 : f32
    %broadcast_in_dim3A_144 = vector.broadcast %broadcast_in_dim3A_143 : f32 to vector<16xf32>
    %swap3A_145 = arith.constant 128 : index
    %swap3A_146 = tpu.vector_load %arg6[%swap3A_145] {strides = array<i32>} : memref<1024xf32, #tpu.memory_space<vmem>>, vector<16xf32>,
    %swap3A_147 = vector.shape_cast %swap3A_146 : vector<16xf32> to vector<16xf32>
    %swap3A_148 = vector.shape_cast %broadcast_in_dim3A_144 : vector<16xf32> to vector<16xf32>
    tpu.vector_store %arg6[%swap3A_145], %swap3A_148 {strides = array<i32>} : memref<1024xf32, #tpu.memory_space<vmem>>, vector<16xf32>,
    %broadcast_in_dim3A_149 = arith.constant 0.000000e+00 : f32
    %broadcast_in_dim3A_150 = vector.broadcast %broadcast_in_dim3A_149 : f32 to vector<16xf32>
    %swap3A_151 = arith.constant 144 : index
    %swap3A_152 = tpu.vector_load %arg6[%swap3A_151] {strides = array<i32>} : memref<1024xf32, #tpu.memory_space<vmem>>, vector<16xf32>,
    %swap3A_153 = vector.shape_cast %swap3A_152 : vector<16xf32> to vector<16xf32>
    %swap3A_154 = vector.shape_cast %broadcast_in_dim3A_150 : vector<16xf32> to vector<16xf32>
    tpu.vector_store %arg6[%swap3A_151], %swap3A_154 {strides = array<i32>} : memref<1024xf32, #tpu.memory_space<vmem>>, vector<16xf32>,
    %broadcast_in_dim3A_155 = arith.constant 0.000000e+00 : f32
    %broadcast_in_dim3A_156 = vector.broadcast %broadcast_in_dim3A_155 : f32 to vector<16xf32>
    %swap3A_157 = arith.constant 160 : index
    %swap3A_158 = tpu.vector_load %arg6[%swap3A_157] {strides = array<i32>} : memref<1024xf32, #tpu.memory_space<vmem>>, vector<16xf32>,
    %swap3A_159 = vector.shape_cast %swap3A_158 : vector<16xf32> to vector<16xf32>
    %swap3A_160 = vector.shape_cast %broadcast_in_dim3A_156 : vector<16xf32> to vector<16xf32>
    tpu.vector_store %arg6[%swap3A_157], %swap3A_160 {strides = array<i32>} : memref<1024xf32, #tpu.memory_space<vmem>>, vector<16xf32>,
    %broadcast_in_dim3A_161 = arith.constant 0.000000e+00 : f32
    %broadcast_in_dim3A_162 = vector.broadcast %broadcast_in_dim3A_161 : f32 to vector<16xf32>
    %swap3A_163 = arith.constant 176 : index
    %swap3A_164 = tpu.vector_load %arg6[%swap3A_163] {strides = array<i32>} : memref<1024xf32, #tpu.memory_space<vmem>>, vector<16xf32>,
    %swap3A_165 = vector.shape_cast %swap3A_164 : vector<16xf32> to vector<16xf32>
    %swap3A_166 = vector.shape_cast %broadcast_in_dim3A_162 : vector<16xf32> to vector<16xf32>
    tpu.vector_store %arg6[%swap3A_163], %swap3A_166 {strides = array<i32>} : memref<1024xf32, #tpu.memory_space<vmem>>, vector<16xf32>,
    %broadcast_in_dim3A_167 = arith.constant 0.000000e+00 : f32
    %broadcast_in_dim3A_168 = vector.broadcast %broadcast_in_dim3A_167 : f32 to vector<16xf32>
    %swap3A_169 = arith.constant 192 : index
    %swap3A_170 = tpu.vector_load %arg6[%swap3A_169] {strides = array<i32>} : memref<1024xf32, #tpu.memory_space<vmem>>, vector<16xf32>,
    %swap3A_171 = vector.shape_cast %swap3A_170 : vector<16xf32> to vector<16xf32>
    %swap3A_172 = vector.shape_cast %broadcast_in_dim3A_168 : vector<16xf32> to vector<16xf32>
    tpu.vector_store %arg6[%swap3A_169], %swap3A_172 {strides = array<i32>} : memref<1024xf32, #tpu.memory_space<vmem>>, vector<16xf32>,
    %broadcast_in_dim3A_173 = arith.constant 0.000000e+00 : f32
    %broadcast_in_dim3A_174 = vector.broadcast %broadcast_in_dim3A_173 : f32 to vector<16xf32>
    %swap3A_175 = arith.constant 208 : index
    %swap3A_176 = tpu.vector_load %arg6[%swap3A_175] {strides = array<i32>} : memref<1024xf32, #tpu.memory_space<vmem>>, vector<16xf32>,
    %swap3A_177 = vector.shape_cast %swap3A_176 : vector<16xf32> to vector<16xf32>
    %swap3A_178 = vector.shape_cast %broadcast_in_dim3A_174 : vector<16xf32> to vector<16xf32>
    tpu.vector_store %arg6[%swap3A_175], %swap3A_178 {strides = array<i32>} : memref<1024xf32, #tpu.memory_space<vmem>>, vector<16xf32>,
    %broadcast_in_dim3A_179 = arith.constant 0.000000e+00 : f32
    %broadcast_in_dim3A_180 = vector.broadcast %broadcast_in_dim3A_179 : f32 to vector<16xf32>
    %swap3A_181 = arith.constant 224 : index
    %swap3A_182 = tpu.vector_load %arg6[%swap3A_181] {strides = array<i32>} : memref<1024xf32, #tpu.memory_space<vmem>>, vector<16xf32>,
    %swap3A_183 = vector.shape_cast %swap3A_182 : vector<16xf32> to vector<16xf32>
    %swap3A_184 = vector.shape_cast %broadcast_in_dim3A_180 : vector<16xf32> to vector<16xf32>
    tpu.vector_store %arg6[%swap3A_181], %swap3A_184 {strides = array<i32>} : memref<1024xf32, #tpu.memory_space<vmem>>, vector<16xf32>,
    %broadcast_in_dim3A_185 = arith.constant 0.000000e+00 : f32
    %broadcast_in_dim3A_186 = vector.broadcast %broadcast_in_dim3A_185 : f32 to vector<16xf32>
    %swap3A_187 = arith.constant 240 : index
    %swap3A_188 = tpu.vector_load %arg6[%swap3A_187] {strides = array<i32>} : memref<1024xf32, #tpu.memory_space<vmem>>, vector<16xf32>,
    %swap3A_189 = vector.shape_cast %swap3A_188 : vector<16xf32> to vector<16xf32>
    %swap3A_190 = vector.shape_cast %broadcast_in_dim3A_186 : vector<16xf32> to vector<16xf32>
    tpu.vector_store %arg6[%swap3A_187], %swap3A_190 {strides = array<i32>} : memref<1024xf32, #tpu.memory_space<vmem>>, vector<16xf32>,
    %broadcast_in_dim3A_191 = arith.constant 0.000000e+00 : f32
    %broadcast_in_dim3A_192 = vector.broadcast %broadcast_in_dim3A_191 : f32 to vector<16xf32>
    %swap3A_193 = arith.constant 256 : index
    %swap3A_194 = tpu.vector_load %arg6[%swap3A_193] {strides = array<i32>} : memref<1024xf32, #tpu.memory_space<vmem>>, vector<16xf32>,
    %swap3A_195 = vector.shape_cast %swap3A_194 : vector<16xf32> to vector<16xf32>
    %swap3A_196 = vector.shape_cast %broadcast_in_dim3A_192 : vector<16xf32> to vector<16xf32>
    tpu.vector_store %arg6[%swap3A_193], %swap3A_196 {strides = array<i32>} : memref<1024xf32, #tpu.memory_space<vmem>>, vector<16xf32>,
    %broadcast_in_dim3A_197 = arith.constant 0.000000e+00 : f32
    %broadcast_in_dim3A_198 = vector.broadcast %broadcast_in_dim3A_197 : f32 to vector<16xf32>
    %swap3A_199 = arith.constant 272 : index
    %swap3A_200 = tpu.vector_load %arg6[%swap3A_199] {strides = array<i32>} : memref<1024xf32, #tpu.memory_space<vmem>>, vector<16xf32>,
    %swap3A_201 = vector.shape_cast %swap3A_200 : vector<16xf32> to vector<16xf32>
    %swap3A_202 = vector.shape_cast %broadcast_in_dim3A_198 : vector<16xf32> to vector<16xf32>
    tpu.vector_store %arg6[%swap3A_199], %swap3A_202 {strides = array<i32>} : memref<1024xf32, #tpu.memory_space<vmem>>, vector<16xf32>,
    %broadcast_in_dim3A_203 = arith.constant 0.000000e+00 : f32
    %broadcast_in_dim3A_204 = vector.broadcast %broadcast_in_dim3A_203 : f32 to vector<16xf32>
    %swap3A_205 = arith.constant 288 : index
    %swap3A_206 = tpu.vector_load %arg6[%swap3A_205] {strides = array<i32>} : memref<1024xf32, #tpu.memory_space<vmem>>, vector<16xf32>,
    %swap3A_207 = vector.shape_cast %swap3A_206 : vector<16xf32> to vector<16xf32>
    %swap3A_208 = vector.shape_cast %broadcast_in_dim3A_204 : vector<16xf32> to vector<16xf32>
    tpu.vector_store %arg6[%swap3A_205], %swap3A_208 {strides = array<i32>} : memref<1024xf32, #tpu.memory_space<vmem>>, vector<16xf32>,
    %broadcast_in_dim3A_209 = arith.constant 0.000000e+00 : f32
    %broadcast_in_dim3A_210 = vector.broadcast %broadcast_in_dim3A_209 : f32 to vector<16xf32>
    %swap3A_211 = arith.constant 304 : index
    %swap3A_212 = tpu.vector_load %arg6[%swap3A_211] {strides = array<i32>} : memref<1024xf32, #tpu.memory_space<vmem>>, vector<16xf32>,
    %swap3A_213 = vector.shape_cast %swap3A_212 : vector<16xf32> to vector<16xf32>
    %swap3A_214 = vector.shape_cast %broadcast_in_dim3A_210 : vector<16xf32> to vector<16xf32>
    tpu.vector_store %arg6[%swap3A_211], %swap3A_214 {strides = array<i32>} : memref<1024xf32, #tpu.memory_space<vmem>>, vector<16xf32>,
    %broadcast_in_dim3A_215 = arith.constant 0.000000e+00 : f32
    %broadcast_in_dim3A_216 = vector.broadcast %broadcast_in_dim3A_215 : f32 to vector<16xf32>
    %swap3A_217 = arith.constant 320 : index
    %swap3A_218 = tpu.vector_load %arg6[%swap3A_217] {strides = array<i32>} : memref<1024xf32, #tpu.memory_space<vmem>>, vector<16xf32>,
    %swap3A_219 = vector.shape_cast %swap3A_218 : vector<16xf32> to vector<16xf32>
    %swap3A_220 = vector.shape_cast %broadcast_in_dim3A_216 : vector<16xf32> to vector<16xf32>
    tpu.vector_store %arg6[%swap3A_217], %swap3A_220 {strides = array<i32>} : memref<1024xf32, #tpu.memory_space<vmem>>, vector<16xf32>,
    %broadcast_in_dim3A_221 = arith.constant 0.000000e+00 : f32
    %broadcast_in_dim3A_222 = vector.broadcast %broadcast_in_dim3A_221 : f32 to vector<16xf32>
    %swap3A_223 = arith.constant 336 : index
    %swap3A_224 = tpu.vector_load %arg6[%swap3A_223] {strides = array<i32>} : memref<1024xf32, #tpu.memory_space<vmem>>, vector<16xf32>,
    %swap3A_225 = vector.shape_cast %swap3A_224 : vector<16xf32> to vector<16xf32>
    %swap3A_226 = vector.shape_cast %broadcast_in_dim3A_222 : vector<16xf32> to vector<16xf32>
    tpu.vector_store %arg6[%swap3A_223], %swap3A_226 {strides = array<i32>} : memref<1024xf32, #tpu.memory_space<vmem>>, vector<16xf32>,
    %broadcast_in_dim3A_227 = arith.constant 0.000000e+00 : f32
    %broadcast_in_dim3A_228 = vector.broadcast %broadcast_in_dim3A_227 : f32 to vector<16xf32>
    %swap3A_229 = arith.constant 352 : index
    %swap3A_230 = tpu.vector_load %arg6[%swap3A_229] {strides = array<i32>} : memref<1024xf32, #tpu.memory_space<vmem>>, vector<16xf32>,
    %swap3A_231 = vector.shape_cast %swap3A_230 : vector<16xf32> to vector<16xf32>
    %swap3A_232 = vector.shape_cast %broadcast_in_dim3A_228 : vector<16xf32> to vector<16xf32>
    tpu.vector_store %arg6[%swap3A_229], %swap3A_232 {strides = array<i32>} : memref<1024xf32, #tpu.memory_space<vmem>>, vector<16xf32>,
    %broadcast_in_dim3A_233 = arith.constant 0.000000e+00 : f32
    %broadcast_in_dim3A_234 = vector.broadcast %broadcast_in_dim3A_233 : f32 to vector<16xf32>
    %swap3A_235 = arith.constant 368 : index
    %swap3A_236 = tpu.vector_load %arg6[%swap3A_235] {strides = array<i32>} : memref<1024xf32, #tpu.memory_space<vmem>>, vector<16xf32>,
    %swap3A_237 = vector.shape_cast %swap3A_236 : vector<16xf32> to vector<16xf32>
    %swap3A_238 = vector.shape_cast %broadcast_in_dim3A_234 : vector<16xf32> to vector<16xf32>
    tpu.vector_store %arg6[%swap3A_235], %swap3A_238 {strides = array<i32>} : memref<1024xf32, #tpu.memory_space<vmem>>, vector<16xf32>,
    %broadcast_in_dim3A_239 = arith.constant 0.000000e+00 : f32
    %broadcast_in_dim3A_240 = vector.broadcast %broadcast_in_dim3A_239 : f32 to vector<16xf32>
    %swap3A_241 = arith.constant 384 : index
    %swap3A_242 = tpu.vector_load %arg6[%swap3A_241] {strides = array<i32>} : memref<1024xf32, #tpu.memory_space<vmem>>, vector<16xf32>,
    %swap3A_243 = vector.shape_cast %swap3A_242 : vector<16xf32> to vector<16xf32>
    %swap3A_244 = vector.shape_cast %broadcast_in_dim3A_240 : vector<16xf32> to vector<16xf32>
    tpu.vector_store %arg6[%swap3A_241], %swap3A_244 {strides = array<i32>} : memref<1024xf32, #tpu.memory_space<vmem>>, vector<16xf32>,
    %broadcast_in_dim3A_245 = arith.constant 0.000000e+00 : f32
    %broadcast_in_dim3A_246 = vector.broadcast %broadcast_in_dim3A_245 : f32 to vector<16xf32>
    %swap3A_247 = arith.constant 400 : index
    %swap3A_248 = tpu.vector_load %arg6[%swap3A_247] {strides = array<i32>} : memref<1024xf32, #tpu.memory_space<vmem>>, vector<16xf32>,
    %swap3A_249 = vector.shape_cast %swap3A_248 : vector<16xf32> to vector<16xf32>
    %swap3A_250 = vector.shape_cast %broadcast_in_dim3A_246 : vector<16xf32> to vector<16xf32>
    tpu.vector_store %arg6[%swap3A_247], %swap3A_250 {strides = array<i32>} : memref<1024xf32, #tpu.memory_space<vmem>>, vector<16xf32>,
    %broadcast_in_dim3A_251 = arith.constant 0.000000e+00 : f32
    %broadcast_in_dim3A_252 = vector.broadcast %broadcast_in_dim3A_251 : f32 to vector<16xf32>
    %swap3A_253 = arith.constant 416 : index
    %swap3A_254 = tpu.vector_load %arg6[%swap3A_253] {strides = array<i32>} : memref<1024xf32, #tpu.memory_space<vmem>>, vector<16xf32>,
    %swap3A_255 = vector.shape_cast %swap3A_254 : vector<16xf32> to vector<16xf32>
    %swap3A_256 = vector.shape_cast %broadcast_in_dim3A_252 : vector<16xf32> to vector<16xf32>
    tpu.vector_store %arg6[%swap3A_253], %swap3A_256 {strides = array<i32>} : memref<1024xf32, #tpu.memory_space<vmem>>, vector<16xf32>,
    %broadcast_in_dim3A_257 = arith.constant 0.000000e+00 : f32
    %broadcast_in_dim3A_258 = vector.broadcast %broadcast_in_dim3A_257 : f32 to vector<16xf32>
    %swap3A_259 = arith.constant 432 : index
    %swap3A_260 = tpu.vector_load %arg6[%swap3A_259] {strides = array<i32>} : memref<1024xf32, #tpu.memory_space<vmem>>, vector<16xf32>,
    %swap3A_261 = vector.shape_cast %swap3A_260 : vector<16xf32> to vector<16xf32>
    %swap3A_262 = vector.shape_cast %broadcast_in_dim3A_258 : vector<16xf32> to vector<16xf32>
    tpu.vector_store %arg6[%swap3A_259], %swap3A_262 {strides = array<i32>} : memref<1024xf32, #tpu.memory_space<vmem>>, vector<16xf32>,
    %broadcast_in_dim3A_263 = arith.constant 0.000000e+00 : f32
    %broadcast_in_dim3A_264 = vector.broadcast %broadcast_in_dim3A_263 : f32 to vector<16xf32>
    %swap3A_265 = arith.constant 448 : index
    %swap3A_266 = tpu.vector_load %arg6[%swap3A_265] {strides = array<i32>} : memref<1024xf32, #tpu.memory_space<vmem>>, vector<16xf32>,
    %swap3A_267 = vector.shape_cast %swap3A_266 : vector<16xf32> to vector<16xf32>
    %swap3A_268 = vector.shape_cast %broadcast_in_dim3A_264 : vector<16xf32> to vector<16xf32>
    tpu.vector_store %arg6[%swap3A_265], %swap3A_268 {strides = array<i32>} : memref<1024xf32, #tpu.memory_space<vmem>>, vector<16xf32>,
    %broadcast_in_dim3A_269 = arith.constant 0.000000e+00 : f32
    %broadcast_in_dim3A_270 = vector.broadcast %broadcast_in_dim3A_269 : f32 to vector<16xf32>
    %swap3A_271 = arith.constant 464 : index
    %swap3A_272 = tpu.vector_load %arg6[%swap3A_271] {strides = array<i32>} : memref<1024xf32, #tpu.memory_space<vmem>>, vector<16xf32>,
    %swap3A_273 = vector.shape_cast %swap3A_272 : vector<16xf32> to vector<16xf32>
    %swap3A_274 = vector.shape_cast %broadcast_in_dim3A_270 : vector<16xf32> to vector<16xf32>
    tpu.vector_store %arg6[%swap3A_271], %swap3A_274 {strides = array<i32>} : memref<1024xf32, #tpu.memory_space<vmem>>, vector<16xf32>,
    %broadcast_in_dim3A_275 = arith.constant 0.000000e+00 : f32
    %broadcast_in_dim3A_276 = vector.broadcast %broadcast_in_dim3A_275 : f32 to vector<16xf32>
    %swap3A_277 = arith.constant 480 : index
    %swap3A_278 = tpu.vector_load %arg6[%swap3A_277] {strides = array<i32>} : memref<1024xf32, #tpu.memory_space<vmem>>, vector<16xf32>,
    %swap3A_279 = vector.shape_cast %swap3A_278 : vector<16xf32> to vector<16xf32>
    %swap3A_280 = vector.shape_cast %broadcast_in_dim3A_276 : vector<16xf32> to vector<16xf32>
    tpu.vector_store %arg6[%swap3A_277], %swap3A_280 {strides = array<i32>} : memref<1024xf32, #tpu.memory_space<vmem>>, vector<16xf32>,
    %broadcast_in_dim3A_281 = arith.constant 0.000000e+00 : f32
    %broadcast_in_dim3A_282 = vector.broadcast %broadcast_in_dim3A_281 : f32 to vector<16xf32>
    %swap3A_283 = arith.constant 496 : index
    %swap3A_284 = tpu.vector_load %arg6[%swap3A_283] {strides = array<i32>} : memref<1024xf32, #tpu.memory_space<vmem>>, vector<16xf32>,
    %swap3A_285 = vector.shape_cast %swap3A_284 : vector<16xf32> to vector<16xf32>
    %swap3A_286 = vector.shape_cast %broadcast_in_dim3A_282 : vector<16xf32> to vector<16xf32>
    tpu.vector_store %arg6[%swap3A_283], %swap3A_286 {strides = array<i32>} : memref<1024xf32, #tpu.memory_space<vmem>>, vector<16xf32>,
    %broadcast_in_dim3A_287 = arith.constant 0.000000e+00 : f32
    %broadcast_in_dim3A_288 = vector.broadcast %broadcast_in_dim3A_287 : f32 to vector<16xf32>
    %swap3A_289 = arith.constant 512 : index
    %swap3A_290 = tpu.vector_load %arg6[%swap3A_289] {strides = array<i32>} : memref<1024xf32, #tpu.memory_space<vmem>>, vector<16xf32>,
    %swap3A_291 = vector.shape_cast %swap3A_290 : vector<16xf32> to vector<16xf32>
    %swap3A_292 = vector.shape_cast %broadcast_in_dim3A_288 : vector<16xf32> to vector<16xf32>
    tpu.vector_store %arg6[%swap3A_289], %swap3A_292 {strides = array<i32>} : memref<1024xf32, #tpu.memory_space<vmem>>, vector<16xf32>,
    %broadcast_in_dim3A_293 = arith.constant 0.000000e+00 : f32
    %broadcast_in_dim3A_294 = vector.broadcast %broadcast_in_dim3A_293 : f32 to vector<16xf32>
    %swap3A_295 = arith.constant 528 : index
    %swap3A_296 = tpu.vector_load %arg6[%swap3A_295] {strides = array<i32>} : memref<1024xf32, #tpu.memory_space<vmem>>, vector<16xf32>,
    %swap3A_297 = vector.shape_cast %swap3A_296 : vector<16xf32> to vector<16xf32>
    %swap3A_298 = vector.shape_cast %broadcast_in_dim3A_294 : vector<16xf32> to vector<16xf32>
    tpu.vector_store %arg6[%swap3A_295], %swap3A_298 {strides = array<i32>} : memref<1024xf32, #tpu.memory_space<vmem>>, vector<16xf32>,
    %broadcast_in_dim3A_299 = arith.constant 0.000000e+00 : f32
    %broadcast_in_dim3A_300 = vector.broadcast %broadcast_in_dim3A_299 : f32 to vector<16xf32>
    %swap3A_301 = arith.constant 544 : index
    %swap3A_302 = tpu.vector_load %arg6[%swap3A_301] {strides = array<i32>} : memref<1024xf32, #tpu.memory_space<vmem>>, vector<16xf32>,
    %swap3A_303 = vector.shape_cast %swap3A_302 : vector<16xf32> to vector<16xf32>
    %swap3A_304 = vector.shape_cast %broadcast_in_dim3A_300 : vector<16xf32> to vector<16xf32>
    tpu.vector_store %arg6[%swap3A_301], %swap3A_304 {strides = array<i32>} : memref<1024xf32, #tpu.memory_space<vmem>>, vector<16xf32>,
    %broadcast_in_dim3A_305 = arith.constant 0.000000e+00 : f32
    %broadcast_in_dim3A_306 = vector.broadcast %broadcast_in_dim3A_305 : f32 to vector<16xf32>
    %swap3A_307 = arith.constant 560 : index
    %swap3A_308 = tpu.vector_load %arg6[%swap3A_307] {strides = array<i32>} : memref<1024xf32, #tpu.memory_space<vmem>>, vector<16xf32>,
    %swap3A_309 = vector.shape_cast %swap3A_308 : vector<16xf32> to vector<16xf32>
    %swap3A_310 = vector.shape_cast %broadcast_in_dim3A_306 : vector<16xf32> to vector<16xf32>
    tpu.vector_store %arg6[%swap3A_307], %swap3A_310 {strides = array<i32>} : memref<1024xf32, #tpu.memory_space<vmem>>, vector<16xf32>,
    %broadcast_in_dim3A_311 = arith.constant 0.000000e+00 : f32
    %broadcast_in_dim3A_312 = vector.broadcast %broadcast_in_dim3A_311 : f32 to vector<16xf32>
    %swap3A_313 = arith.constant 576 : index
    %swap3A_314 = tpu.vector_load %arg6[%swap3A_313] {strides = array<i32>} : memref<1024xf32, #tpu.memory_space<vmem>>, vector<16xf32>,
    %swap3A_315 = vector.shape_cast %swap3A_314 : vector<16xf32> to vector<16xf32>
    %swap3A_316 = vector.shape_cast %broadcast_in_dim3A_312 : vector<16xf32> to vector<16xf32>
    tpu.vector_store %arg6[%swap3A_313], %swap3A_316 {strides = array<i32>} : memref<1024xf32, #tpu.memory_space<vmem>>, vector<16xf32>,
    %broadcast_in_dim3A_317 = arith.constant 0.000000e+00 : f32
    %broadcast_in_dim3A_318 = vector.broadcast %broadcast_in_dim3A_317 : f32 to vector<16xf32>
    %swap3A_319 = arith.constant 592 : index
    %swap3A_320 = tpu.vector_load %arg6[%swap3A_319] {strides = array<i32>} : memref<1024xf32, #tpu.memory_space<vmem>>, vector<16xf32>,
    %swap3A_321 = vector.shape_cast %swap3A_320 : vector<16xf32> to vector<16xf32>
    %swap3A_322 = vector.shape_cast %broadcast_in_dim3A_318 : vector<16xf32> to vector<16xf32>
    tpu.vector_store %arg6[%swap3A_319], %swap3A_322 {strides = array<i32>} : memref<1024xf32, #tpu.memory_space<vmem>>, vector<16xf32>,
    %broadcast_in_dim3A_323 = arith.constant 0.000000e+00 : f32
    %broadcast_in_dim3A_324 = vector.broadcast %broadcast_in_dim3A_323 : f32 to vector<16xf32>
    %swap3A_325 = arith.constant 608 : index
    %swap3A_326 = tpu.vector_load %arg6[%swap3A_325] {strides = array<i32>} : memref<1024xf32, #tpu.memory_space<vmem>>, vector<16xf32>,
    %swap3A_327 = vector.shape_cast %swap3A_326 : vector<16xf32> to vector<16xf32>
    %swap3A_328 = vector.shape_cast %broadcast_in_dim3A_324 : vector<16xf32> to vector<16xf32>
    tpu.vector_store %arg6[%swap3A_325], %swap3A_328 {strides = array<i32>} : memref<1024xf32, #tpu.memory_space<vmem>>, vector<16xf32>,
    %broadcast_in_dim3A_329 = arith.constant 0.000000e+00 : f32
    %broadcast_in_dim3A_330 = vector.broadcast %broadcast_in_dim3A_329 : f32 to vector<16xf32>
    %swap3A_331 = arith.constant 624 : index
    %swap3A_332 = tpu.vector_load %arg6[%swap3A_331] {strides = array<i32>} : memref<1024xf32, #tpu.memory_space<vmem>>, vector<16xf32>,
    %swap3A_333 = vector.shape_cast %swap3A_332 : vector<16xf32> to vector<16xf32>
    %swap3A_334 = vector.shape_cast %broadcast_in_dim3A_330 : vector<16xf32> to vector<16xf32>
    tpu.vector_store %arg6[%swap3A_331], %swap3A_334 {strides = array<i32>} : memref<1024xf32, #tpu.memory_space<vmem>>, vector<16xf32>,
    %broadcast_in_dim3A_335 = arith.constant 0.000000e+00 : f32
    %broadcast_in_dim3A_336 = vector.broadcast %broadcast_in_dim3A_335 : f32 to vector<16xf32>
    %swap3A_337 = arith.constant 640 : index
    %swap3A_338 = tpu.vector_load %arg6[%swap3A_337] {strides = array<i32>} : memref<1024xf32, #tpu.memory_space<vmem>>, vector<16xf32>,
    %swap3A_339 = vector.shape_cast %swap3A_338 : vector<16xf32> to vector<16xf32>
    %swap3A_340 = vector.shape_cast %broadcast_in_dim3A_336 : vector<16xf32> to vector<16xf32>
    tpu.vector_store %arg6[%swap3A_337], %swap3A_340 {strides = array<i32>} : memref<1024xf32, #tpu.memory_space<vmem>>, vector<16xf32>,
    %broadcast_in_dim3A_341 = arith.constant 0.000000e+00 : f32
    %broadcast_in_dim3A_342 = vector.broadcast %broadcast_in_dim3A_341 : f32 to vector<16xf32>
    %swap3A_343 = arith.constant 656 : index
    %swap3A_344 = tpu.vector_load %arg6[%swap3A_343] {strides = array<i32>} : memref<1024xf32, #tpu.memory_space<vmem>>, vector<16xf32>,
    %swap3A_345 = vector.shape_cast %swap3A_344 : vector<16xf32> to vector<16xf32>
    %swap3A_346 = vector.shape_cast %broadcast_in_dim3A_342 : vector<16xf32> to vector<16xf32>
    tpu.vector_store %arg6[%swap3A_343], %swap3A_346 {strides = array<i32>} : memref<1024xf32, #tpu.memory_space<vmem>>, vector<16xf32>,
    %broadcast_in_dim3A_347 = arith.constant 0.000000e+00 : f32
    %broadcast_in_dim3A_348 = vector.broadcast %broadcast_in_dim3A_347 : f32 to vector<16xf32>
    %swap3A_349 = arith.constant 672 : index
    %swap3A_350 = tpu.vector_load %arg6[%swap3A_349] {strides = array<i32>} : memref<1024xf32, #tpu.memory_space<vmem>>, vector<16xf32>,
    %swap3A_351 = vector.shape_cast %swap3A_350 : vector<16xf32> to vector<16xf32>
    %swap3A_352 = vector.shape_cast %broadcast_in_dim3A_348 : vector<16xf32> to vector<16xf32>
    tpu.vector_store %arg6[%swap3A_349], %swap3A_352 {strides = array<i32>} : memref<1024xf32, #tpu.memory_space<vmem>>, vector<16xf32>,
    %broadcast_in_dim3A_353 = arith.constant 0.000000e+00 : f32
    %broadcast_in_dim3A_354 = vector.broadcast %broadcast_in_dim3A_353 : f32 to vector<16xf32>
    %swap3A_355 = arith.constant 688 : index
    %swap3A_356 = tpu.vector_load %arg6[%swap3A_355] {strides = array<i32>} : memref<1024xf32, #tpu.memory_space<vmem>>, vector<16xf32>,
    %swap3A_357 = vector.shape_cast %swap3A_356 : vector<16xf32> to vector<16xf32>
    %swap3A_358 = vector.shape_cast %broadcast_in_dim3A_354 : vector<16xf32> to vector<16xf32>
    tpu.vector_store %arg6[%swap3A_355], %swap3A_358 {strides = array<i32>} : memref<1024xf32, #tpu.memory_space<vmem>>, vector<16xf32>,
    %broadcast_in_dim3A_359 = arith.constant 0.000000e+00 : f32
    %broadcast_in_dim3A_360 = vector.broadcast %broadcast_in_dim3A_359 : f32 to vector<16xf32>
    %swap3A_361 = arith.constant 704 : index
    %swap3A_362 = tpu.vector_load %arg6[%swap3A_361] {strides = array<i32>} : memref<1024xf32, #tpu.memory_space<vmem>>, vector<16xf32>,
    %swap3A_363 = vector.shape_cast %swap3A_362 : vector<16xf32> to vector<16xf32>
    %swap3A_364 = vector.shape_cast %broadcast_in_dim3A_360 : vector<16xf32> to vector<16xf32>
    tpu.vector_store %arg6[%swap3A_361], %swap3A_364 {strides = array<i32>} : memref<1024xf32, #tpu.memory_space<vmem>>, vector<16xf32>,
    %broadcast_in_dim3A_365 = arith.constant 0.000000e+00 : f32
    %broadcast_in_dim3A_366 = vector.broadcast %broadcast_in_dim3A_365 : f32 to vector<16xf32>
    %swap3A_367 = arith.constant 720 : index
    %swap3A_368 = tpu.vector_load %arg6[%swap3A_367] {strides = array<i32>} : memref<1024xf32, #tpu.memory_space<vmem>>, vector<16xf32>,
    %swap3A_369 = vector.shape_cast %swap3A_368 : vector<16xf32> to vector<16xf32>
    %swap3A_370 = vector.shape_cast %broadcast_in_dim3A_366 : vector<16xf32> to vector<16xf32>
    tpu.vector_store %arg6[%swap3A_367], %swap3A_370 {strides = array<i32>} : memref<1024xf32, #tpu.memory_space<vmem>>, vector<16xf32>,
    %broadcast_in_dim3A_371 = arith.constant 0.000000e+00 : f32
    %broadcast_in_dim3A_372 = vector.broadcast %broadcast_in_dim3A_371 : f32 to vector<16xf32>
    %swap3A_373 = arith.constant 736 : index
    %swap3A_374 = tpu.vector_load %arg6[%swap3A_373] {strides = array<i32>} : memref<1024xf32, #tpu.memory_space<vmem>>, vector<16xf32>,
    %swap3A_375 = vector.shape_cast %swap3A_374 : vector<16xf32> to vector<16xf32>
    %swap3A_376 = vector.shape_cast %broadcast_in_dim3A_372 : vector<16xf32> to vector<16xf32>
    tpu.vector_store %arg6[%swap3A_373], %swap3A_376 {strides = array<i32>} : memref<1024xf32, #tpu.memory_space<vmem>>, vector<16xf32>,
    %broadcast_in_dim3A_377 = arith.constant 0.000000e+00 : f32
    %broadcast_in_dim3A_378 = vector.broadcast %broadcast_in_dim3A_377 : f32 to vector<16xf32>
    %swap3A_379 = arith.constant 752 : index
    %swap3A_380 = tpu.vector_load %arg6[%swap3A_379] {strides = array<i32>} : memref<1024xf32, #tpu.memory_space<vmem>>, vector<16xf32>,
    %swap3A_381 = vector.shape_cast %swap3A_380 : vector<16xf32> to vector<16xf32>
    %swap3A_382 = vector.shape_cast %broadcast_in_dim3A_378 : vector<16xf32> to vector<16xf32>
    tpu.vector_store %arg6[%swap3A_379], %swap3A_382 {strides = array<i32>} : memref<1024xf32, #tpu.memory_space<vmem>>, vector<16xf32>,
    %broadcast_in_dim3A_383 = arith.constant 0.000000e+00 : f32
    %broadcast_in_dim3A_384 = vector.broadcast %broadcast_in_dim3A_383 : f32 to vector<16xf32>
    %swap3A_385 = arith.constant 768 : index
    %swap3A_386 = tpu.vector_load %arg6[%swap3A_385] {strides = array<i32>} : memref<1024xf32, #tpu.memory_space<vmem>>, vector<16xf32>,
    %swap3A_387 = vector.shape_cast %swap3A_386 : vector<16xf32> to vector<16xf32>
    %swap3A_388 = vector.shape_cast %broadcast_in_dim3A_384 : vector<16xf32> to vector<16xf32>
    tpu.vector_store %arg6[%swap3A_385], %swap3A_388 {strides = array<i32>} : memref<1024xf32, #tpu.memory_space<vmem>>, vector<16xf32>,
    %broadcast_in_dim3A_389 = arith.constant 0.000000e+00 : f32
    %broadcast_in_dim3A_390 = vector.broadcast %broadcast_in_dim3A_389 : f32 to vector<16xf32>
    %swap3A_391 = arith.constant 784 : index
    %swap3A_392 = tpu.vector_load %arg6[%swap3A_391] {strides = array<i32>} : memref<1024xf32, #tpu.memory_space<vmem>>, vector<16xf32>,
    %swap3A_393 = vector.shape_cast %swap3A_392 : vector<16xf32> to vector<16xf32>
    %swap3A_394 = vector.shape_cast %broadcast_in_dim3A_390 : vector<16xf32> to vector<16xf32>
    tpu.vector_store %arg6[%swap3A_391], %swap3A_394 {strides = array<i32>} : memref<1024xf32, #tpu.memory_space<vmem>>, vector<16xf32>,
    %broadcast_in_dim3A_395 = arith.constant 0.000000e+00 : f32
    %broadcast_in_dim3A_396 = vector.broadcast %broadcast_in_dim3A_395 : f32 to vector<16xf32>
    %swap3A_397 = arith.constant 800 : index
    %swap3A_398 = tpu.vector_load %arg6[%swap3A_397] {strides = array<i32>} : memref<1024xf32, #tpu.memory_space<vmem>>, vector<16xf32>,
    %swap3A_399 = vector.shape_cast %swap3A_398 : vector<16xf32> to vector<16xf32>
    %swap3A_400 = vector.shape_cast %broadcast_in_dim3A_396 : vector<16xf32> to vector<16xf32>
    tpu.vector_store %arg6[%swap3A_397], %swap3A_400 {strides = array<i32>} : memref<1024xf32, #tpu.memory_space<vmem>>, vector<16xf32>,
    %broadcast_in_dim3A_401 = arith.constant 0.000000e+00 : f32
    %broadcast_in_dim3A_402 = vector.broadcast %broadcast_in_dim3A_401 : f32 to vector<16xf32>
    %swap3A_403 = arith.constant 816 : index
    %swap3A_404 = tpu.vector_load %arg6[%swap3A_403] {strides = array<i32>} : memref<1024xf32, #tpu.memory_space<vmem>>, vector<16xf32>,
    %swap3A_405 = vector.shape_cast %swap3A_404 : vector<16xf32> to vector<16xf32>
    %swap3A_406 = vector.shape_cast %broadcast_in_dim3A_402 : vector<16xf32> to vector<16xf32>
    tpu.vector_store %arg6[%swap3A_403], %swap3A_406 {strides = array<i32>} : memref<1024xf32, #tpu.memory_space<vmem>>, vector<16xf32>,
    %broadcast_in_dim3A_407 = arith.constant 0.000000e+00 : f32
    %broadcast_in_dim3A_408 = vector.broadcast %broadcast_in_dim3A_407 : f32 to vector<16xf32>
    %swap3A_409 = arith.constant 832 : index
    %swap3A_410 = tpu.vector_load %arg6[%swap3A_409] {strides = array<i32>} : memref<1024xf32, #tpu.memory_space<vmem>>, vector<16xf32>,
    %swap3A_411 = vector.shape_cast %swap3A_410 : vector<16xf32> to vector<16xf32>
    %swap3A_412 = vector.shape_cast %broadcast_in_dim3A_408 : vector<16xf32> to vector<16xf32>
    tpu.vector_store %arg6[%swap3A_409], %swap3A_412 {strides = array<i32>} : memref<1024xf32, #tpu.memory_space<vmem>>, vector<16xf32>,
    %broadcast_in_dim3A_413 = arith.constant 0.000000e+00 : f32
    %broadcast_in_dim3A_414 = vector.broadcast %broadcast_in_dim3A_413 : f32 to vector<16xf32>
    %swap3A_415 = arith.constant 848 : index
    %swap3A_416 = tpu.vector_load %arg6[%swap3A_415] {strides = array<i32>} : memref<1024xf32, #tpu.memory_space<vmem>>, vector<16xf32>,
    %swap3A_417 = vector.shape_cast %swap3A_416 : vector<16xf32> to vector<16xf32>
    %swap3A_418 = vector.shape_cast %broadcast_in_dim3A_414 : vector<16xf32> to vector<16xf32>
    tpu.vector_store %arg6[%swap3A_415], %swap3A_418 {strides = array<i32>} : memref<1024xf32, #tpu.memory_space<vmem>>, vector<16xf32>,
    %broadcast_in_dim3A_419 = arith.constant 0.000000e+00 : f32
    %broadcast_in_dim3A_420 = vector.broadcast %broadcast_in_dim3A_419 : f32 to vector<16xf32>
    %swap3A_421 = arith.constant 864 : index
    %swap3A_422 = tpu.vector_load %arg6[%swap3A_421] {strides = array<i32>} : memref<1024xf32, #tpu.memory_space<vmem>>, vector<16xf32>,
    %swap3A_423 = vector.shape_cast %swap3A_422 : vector<16xf32> to vector<16xf32>
    %swap3A_424 = vector.shape_cast %broadcast_in_dim3A_420 : vector<16xf32> to vector<16xf32>
    tpu.vector_store %arg6[%swap3A_421], %swap3A_424 {strides = array<i32>} : memref<1024xf32, #tpu.memory_space<vmem>>, vector<16xf32>,
    %broadcast_in_dim3A_425 = arith.constant 0.000000e+00 : f32
    %broadcast_in_dim3A_426 = vector.broadcast %broadcast_in_dim3A_425 : f32 to vector<16xf32>
    %swap3A_427 = arith.constant 880 : index
    %swap3A_428 = tpu.vector_load %arg6[%swap3A_427] {strides = array<i32>} : memref<1024xf32, #tpu.memory_space<vmem>>, vector<16xf32>,
    %swap3A_429 = vector.shape_cast %swap3A_428 : vector<16xf32> to vector<16xf32>
    %swap3A_430 = vector.shape_cast %broadcast_in_dim3A_426 : vector<16xf32> to vector<16xf32>
    tpu.vector_store %arg6[%swap3A_427], %swap3A_430 {strides = array<i32>} : memref<1024xf32, #tpu.memory_space<vmem>>, vector<16xf32>,
    %broadcast_in_dim3A_431 = arith.constant 0.000000e+00 : f32
    %broadcast_in_dim3A_432 = vector.broadcast %broadcast_in_dim3A_431 : f32 to vector<16xf32>
    %swap3A_433 = arith.constant 896 : index
    %swap3A_434 = tpu.vector_load %arg6[%swap3A_433] {strides = array<i32>} : memref<1024xf32, #tpu.memory_space<vmem>>, vector<16xf32>,
    %swap3A_435 = vector.shape_cast %swap3A_434 : vector<16xf32> to vector<16xf32>
    %swap3A_436 = vector.shape_cast %broadcast_in_dim3A_432 : vector<16xf32> to vector<16xf32>
    tpu.vector_store %arg6[%swap3A_433], %swap3A_436 {strides = array<i32>} : memref<1024xf32, #tpu.memory_space<vmem>>, vector<16xf32>,
    %broadcast_in_dim3A_437 = arith.constant 0.000000e+00 : f32
    %broadcast_in_dim3A_438 = vector.broadcast %broadcast_in_dim3A_437 : f32 to vector<16xf32>
    %swap3A_439 = arith.constant 912 : index
    %swap3A_440 = tpu.vector_load %arg6[%swap3A_439] {strides = array<i32>} : memref<1024xf32, #tpu.memory_space<vmem>>, vector<16xf32>,
    %swap3A_441 = vector.shape_cast %swap3A_440 : vector<16xf32> to vector<16xf32>
    %swap3A_442 = vector.shape_cast %broadcast_in_dim3A_438 : vector<16xf32> to vector<16xf32>
    tpu.vector_store %arg6[%swap3A_439], %swap3A_442 {strides = array<i32>} : memref<1024xf32, #tpu.memory_space<vmem>>, vector<16xf32>,
    %broadcast_in_dim3A_443 = arith.constant 0.000000e+00 : f32
    %broadcast_in_dim3A_444 = vector.broadcast %broadcast_in_dim3A_443 : f32 to vector<16xf32>
    %swap3A_445 = arith.constant 928 : index
    %swap3A_446 = tpu.vector_load %arg6[%swap3A_445] {strides = array<i32>} : memref<1024xf32, #tpu.memory_space<vmem>>, vector<16xf32>,
    %swap3A_447 = vector.shape_cast %swap3A_446 : vector<16xf32> to vector<16xf32>
    %swap3A_448 = vector.shape_cast %broadcast_in_dim3A_444 : vector<16xf32> to vector<16xf32>
    tpu.vector_store %arg6[%swap3A_445], %swap3A_448 {strides = array<i32>} : memref<1024xf32, #tpu.memory_space<vmem>>, vector<16xf32>,
    %broadcast_in_dim3A_449 = arith.constant 0.000000e+00 : f32
    %broadcast_in_dim3A_450 = vector.broadcast %broadcast_in_dim3A_449 : f32 to vector<16xf32>
    %swap3A_451 = arith.constant 944 : index
    %swap3A_452 = tpu.vector_load %arg6[%swap3A_451] {strides = array<i32>} : memref<1024xf32, #tpu.memory_space<vmem>>, vector<16xf32>,
    %swap3A_453 = vector.shape_cast %swap3A_452 : vector<16xf32> to vector<16xf32>
    %swap3A_454 = vector.shape_cast %broadcast_in_dim3A_450 : vector<16xf32> to vector<16xf32>
    tpu.vector_store %arg6[%swap3A_451], %swap3A_454 {strides = array<i32>} : memref<1024xf32, #tpu.memory_space<vmem>>, vector<16xf32>,
    %broadcast_in_dim3A_455 = arith.constant 0.000000e+00 : f32
    %broadcast_in_dim3A_456 = vector.broadcast %broadcast_in_dim3A_455 : f32 to vector<16xf32>
    %swap3A_457 = arith.constant 960 : index
    %swap3A_458 = tpu.vector_load %arg6[%swap3A_457] {strides = array<i32>} : memref<1024xf32, #tpu.memory_space<vmem>>, vector<16xf32>,
    %swap3A_459 = vector.shape_cast %swap3A_458 : vector<16xf32> to vector<16xf32>
    %swap3A_460 = vector.shape_cast %broadcast_in_dim3A_456 : vector<16xf32> to vector<16xf32>
    tpu.vector_store %arg6[%swap3A_457], %swap3A_460 {strides = array<i32>} : memref<1024xf32, #tpu.memory_space<vmem>>, vector<16xf32>,
    %broadcast_in_dim3A_461 = arith.constant 0.000000e+00 : f32
    %broadcast_in_dim3A_462 = vector.broadcast %broadcast_in_dim3A_461 : f32 to vector<16xf32>
    %swap3A_463 = arith.constant 976 : index
    %swap3A_464 = tpu.vector_load %arg6[%swap3A_463] {strides = array<i32>} : memref<1024xf32, #tpu.memory_space<vmem>>, vector<16xf32>,
    %swap3A_465 = vector.shape_cast %swap3A_464 : vector<16xf32> to vector<16xf32>
    %swap3A_466 = vector.shape_cast %broadcast_in_dim3A_462 : vector<16xf32> to vector<16xf32>
    tpu.vector_store %arg6[%swap3A_463], %swap3A_466 {strides = array<i32>} : memref<1024xf32, #tpu.memory_space<vmem>>, vector<16xf32>,
    %broadcast_in_dim3A_467 = arith.constant 0.000000e+00 : f32
    %broadcast_in_dim3A_468 = vector.broadcast %broadcast_in_dim3A_467 : f32 to vector<16xf32>
    %swap3A_469 = arith.constant 992 : index
    %swap3A_470 = tpu.vector_load %arg6[%swap3A_469] {strides = array<i32>} : memref<1024xf32, #tpu.memory_space<vmem>>, vector<16xf32>,
    %swap3A_471 = vector.shape_cast %swap3A_470 : vector<16xf32> to vector<16xf32>
    %swap3A_472 = vector.shape_cast %broadcast_in_dim3A_468 : vector<16xf32> to vector<16xf32>
    tpu.vector_store %arg6[%swap3A_469], %swap3A_472 {strides = array<i32>} : memref<1024xf32, #tpu.memory_space<vmem>>, vector<16xf32>,
    %broadcast_in_dim3A_473 = arith.constant 0.000000e+00 : f32
    %broadcast_in_dim3A_474 = vector.broadcast %broadcast_in_dim3A_473 : f32 to vector<16xf32>
    %swap3A_475 = arith.constant 1008 : index
    %swap3A_476 = tpu.vector_load %arg6[%swap3A_475] {strides = array<i32>} : memref<1024xf32, #tpu.memory_space<vmem>>, vector<16xf32>,
    %swap3A_477 = vector.shape_cast %swap3A_476 : vector<16xf32> to vector<16xf32>
    %swap3A_478 = vector.shape_cast %broadcast_in_dim3A_474 : vector<16xf32> to vector<16xf32>
    tpu.vector_store %arg6[%swap3A_475], %swap3A_478 {strides = array<i32>} : memref<1024xf32, #tpu.memory_space<vmem>>, vector<16xf32>,
    %eq3A = arith.constant 0 : i32
    %eq3A_479 = arith.cmpi eq, %add3A, %eq3A : i32
    %convert_element_type3A = arith.extui %eq3A_479 : i1 to i32
    %cond3A = arith.constant 0 : i32
    %cond3A_480 = arith.cmpi ne, %convert_element_type3A, %cond3A : i32
    scf.if %cond3A_480 {
      "tpu.region"() ({
        %run_scoped3A = tpu.sem_alloc : memref<!tpu.dma_semaphore, #tpu.memory_space<semaphore_mem>>
        tpu.enqueue_dma source(%arg6 : memref<1024xf32, #tpu.memory_space<vmem>>) target(%arg7 : memref<1024xf32, #tpu.memory_space<vmem_shared>>) target_semaphore(%run_scoped3A : memref<!tpu.dma_semaphore, #tpu.memory_space<semaphore_mem>>)
        tpu.wait_dma2 semaphore(%run_scoped3A : memref<!tpu.dma_semaphore, #tpu.memory_space<semaphore_mem>>) src(%arg6 : memref<1024xf32, #tpu.memory_space<vmem>>) dst(%arg7 : memref<1024xf32, #tpu.memory_space<vmem_shared>>)
        tpu.yield
      }) : () -> ()
    } else {
    }
    %barrier3A = arith.constant 0 : index
    tpu.barrier barrier_id(%barrier3A)
    %mul3A_481 = arith.constant 256 : i32
    %mul3A_482 = arith.muli %add3A, %mul3A_481 : i32
    "tpu.region"() ({
      %run_scoped3A = tpu.sem_alloc : memref<!tpu.dma_semaphore, #tpu.memory_space<semaphore_mem>>
      %dma_start3A = tpu.memref_slice %arg2[%mul3A_482] : memref<4096xi32, #tpu.memory_space<hbm>> -> memref<256xi32, #tpu.memory_space<hbm>>
      %dma_start3A_489 = tpu.memref_slice %arg2[%mul3A_482] : memref<4096xi32, #tpu.memory_space<hbm>> -> memref<256xi32, #tpu.memory_space<hbm>>
      tpu.enqueue_dma source(%dma_start3A_489 : memref<256xi32, #tpu.memory_space<hbm>>) target(%arg4 : memref<256xi32, #tpu.memory_space<vmem>>) target_semaphore(%run_scoped3A : memref<!tpu.dma_semaphore, #tpu.memory_space<semaphore_mem>>)
      %dma_wait3A = tpu.memref_slice %arg2[%mul3A_482] : memref<4096xi32, #tpu.memory_space<hbm>> -> memref<256xi32, #tpu.memory_space<hbm>>
      %dma_wait3A_490 = tpu.memref_slice %arg2[%mul3A_482] : memref<4096xi32, #tpu.memory_space<hbm>> -> memref<256xi32, #tpu.memory_space<hbm>>
      tpu.wait_dma2 semaphore(%run_scoped3A : memref<!tpu.dma_semaphore, #tpu.memory_space<semaphore_mem>>) src(%dma_wait3A_490 : memref<256xi32, #tpu.memory_space<hbm>>) dst(%arg4 : memref<256xi32, #tpu.memory_space<vmem>>)
      tpu.yield
    }) : () -> ()
    "tpu.region"() ({
      %run_scoped3A = tpu.sem_alloc : memref<!tpu.dma_semaphore, #tpu.memory_space<semaphore_mem>>
      %dma_start3A = arith.constant 0 : i32
      %dma_start3A_489 = tpu.memref_slice %arg7[%dma_start3A] : memref<1024xf32, #tpu.memory_space<vmem_shared>> -> memref<1024xf32, #tpu.memory_space<vmem_shared>>
      tpu.enqueue_indirect_dma source(%arg5 : memref<256xf32, #tpu.memory_space<vmem>>) target(%dma_start3A_489 : memref<1024xf32, #tpu.memory_space<vmem_shared>>) offsets(%arg4 : memref<256xi32, #tpu.memory_space<vmem>>) semaphore(%run_scoped3A : memref<!tpu.dma_semaphore, #tpu.memory_space<semaphore_mem>>) {add = true}
      %dma_wait3A = arith.constant 0 : i32
      %dma_wait3A_490 = tpu.memref_slice %arg7[%dma_wait3A] : memref<1024xf32, #tpu.memory_space<vmem_shared>> -> memref<1024xf32, #tpu.memory_space<vmem_shared>>
      tpu.wait_indirect_dma semaphore(%run_scoped3A : memref<!tpu.dma_semaphore, #tpu.memory_space<semaphore_mem>>) src(%arg5 : memref<256xf32, #tpu.memory_space<vmem>>) dst(%dma_wait3A_490 : memref<1024xf32, #tpu.memory_space<vmem_shared>>)
      tpu.yield
    }) : () -> ()
    %barrier3A_483 = arith.constant 0 : index
    tpu.barrier barrier_id(%barrier3A_483)
    %eq3A_484 = arith.constant 0 : i32
    %eq3A_485 = arith.cmpi eq, %add3A, %eq3A_484 : i32
    %convert_element_type3A_486 = arith.extui %eq3A_485 : i1 to i32
    %cond3A_487 = arith.constant 0 : i32
    %cond3A_488 = arith.cmpi ne, %convert_element_type3A_486, %cond3A_487 : i32
    scf.if %cond3A_488 {
      "tpu.region"() ({
        %run_scoped3A = tpu.sem_alloc : memref<!tpu.dma_semaphore, #tpu.memory_space<semaphore_mem>>
        tpu.enqueue_dma source(%arg7 : memref<1024xf32, #tpu.memory_space<vmem_shared>>) target(%arg6 : memref<1024xf32, #tpu.memory_space<vmem>>) target_semaphore(%run_scoped3A : memref<!tpu.dma_semaphore, #tpu.memory_space<semaphore_mem>>)
        tpu.wait_dma2 semaphore(%run_scoped3A : memref<!tpu.dma_semaphore, #tpu.memory_space<semaphore_mem>>) src(%arg7 : memref<1024xf32, #tpu.memory_space<vmem_shared>>) dst(%arg6 : memref<1024xf32, #tpu.memory_space<vmem>>)
        tpu.yield
      }) : () -> ()
      %broadcast_in_dim3A_489 = arith.constant 0.000000e+00 : f32
      %broadcast_in_dim3A_490 = vector.broadcast %broadcast_in_dim3A_489 : f32 to vector<16xf32>
      %swap3A_491 = arith.constant 0 : index
      %swap3A_492 = tpu.vector_load %arg8[%swap3A_491] {strides = array<i32>} : memref<16xf32, #tpu.memory_space<vmem>>, vector<16xf32>,
      %swap3A_493 = vector.shape_cast %swap3A_492 : vector<16xf32> to vector<16xf32>
      %swap3A_494 = vector.shape_cast %broadcast_in_dim3A_490 : vector<16xf32> to vector<16xf32>
      tpu.vector_store %arg8[%swap3A_491], %swap3A_494 {strides = array<i32>} : memref<16xf32, #tpu.memory_space<vmem>>, vector<16xf32>,
      %get3A = arith.constant 0 : index
      %get3A_495 = tpu.vector_load %arg6[%get3A] {strides = array<i32>} : memref<1024xf32, #tpu.memory_space<vmem>>, vector<16xf32>,
      %get3A_496 = vector.shape_cast %get3A_495 : vector<16xf32> to vector<16xf32>
      %get3A_497 = arith.constant 0 : index
      %get3A_498 = tpu.vector_load %arg8[%get3A_497] {strides = array<i32>} : memref<16xf32, #tpu.memory_space<vmem>>, vector<16xf32>,
      %get3A_499 = vector.shape_cast %get3A_498 : vector<16xf32> to vector<16xf32>
      %mul3A_500 = arith.mulf %get3A_496, %get3A_496 : vector<16xf32>
      %add3A_501 = arith.addf %get3A_499, %mul3A_500 : vector<16xf32>
      %swap3A_502 = arith.constant 0 : index
      %swap3A_503 = tpu.vector_load %arg8[%swap3A_502] {strides = array<i32>} : memref<16xf32, #tpu.memory_space<vmem>>, vector<16xf32>,
      %swap3A_504 = vector.shape_cast %swap3A_503 : vector<16xf32> to vector<16xf32>
      %swap3A_505 = vector.shape_cast %add3A_501 : vector<16xf32> to vector<16xf32>
      tpu.vector_store %arg8[%swap3A_502], %swap3A_505 {strides = array<i32>} : memref<16xf32, #tpu.memory_space<vmem>>, vector<16xf32>,
      %get3A_506 = arith.constant 16 : index
      %get3A_507 = tpu.vector_load %arg6[%get3A_506] {strides = array<i32>} : memref<1024xf32, #tpu.memory_space<vmem>>, vector<16xf32>,
      %get3A_508 = vector.shape_cast %get3A_507 : vector<16xf32> to vector<16xf32>
      %get3A_509 = arith.constant 0 : index
      %get3A_510 = tpu.vector_load %arg8[%get3A_509] {strides = array<i32>} : memref<16xf32, #tpu.memory_space<vmem>>, vector<16xf32>,
      %get3A_511 = vector.shape_cast %get3A_510 : vector<16xf32> to vector<16xf32>
      %mul3A_512 = arith.mulf %get3A_508, %get3A_508 : vector<16xf32>
      %add3A_513 = arith.addf %get3A_511, %mul3A_512 : vector<16xf32>
      %swap3A_514 = arith.constant 0 : index
      %swap3A_515 = tpu.vector_load %arg8[%swap3A_514] {strides = array<i32>} : memref<16xf32, #tpu.memory_space<vmem>>, vector<16xf32>,
      %swap3A_516 = vector.shape_cast %swap3A_515 : vector<16xf32> to vector<16xf32>
      %swap3A_517 = vector.shape_cast %add3A_513 : vector<16xf32> to vector<16xf32>
      tpu.vector_store %arg8[%swap3A_514], %swap3A_517 {strides = array<i32>} : memref<16xf32, #tpu.memory_space<vmem>>, vector<16xf32>,
      %get3A_518 = arith.constant 32 : index
      %get3A_519 = tpu.vector_load %arg6[%get3A_518] {strides = array<i32>} : memref<1024xf32, #tpu.memory_space<vmem>>, vector<16xf32>,
      %get3A_520 = vector.shape_cast %get3A_519 : vector<16xf32> to vector<16xf32>
      %get3A_521 = arith.constant 0 : index
      %get3A_522 = tpu.vector_load %arg8[%get3A_521] {strides = array<i32>} : memref<16xf32, #tpu.memory_space<vmem>>, vector<16xf32>,
      %get3A_523 = vector.shape_cast %get3A_522 : vector<16xf32> to vector<16xf32>
      %mul3A_524 = arith.mulf %get3A_520, %get3A_520 : vector<16xf32>
      %add3A_525 = arith.addf %get3A_523, %mul3A_524 : vector<16xf32>
      %swap3A_526 = arith.constant 0 : index
      %swap3A_527 = tpu.vector_load %arg8[%swap3A_526] {strides = array<i32>} : memref<16xf32, #tpu.memory_space<vmem>>, vector<16xf32>,
      %swap3A_528 = vector.shape_cast %swap3A_527 : vector<16xf32> to vector<16xf32>
      %swap3A_529 = vector.shape_cast %add3A_525 : vector<16xf32> to vector<16xf32>
      tpu.vector_store %arg8[%swap3A_526], %swap3A_529 {strides = array<i32>} : memref<16xf32, #tpu.memory_space<vmem>>, vector<16xf32>,
      %get3A_530 = arith.constant 48 : index
      %get3A_531 = tpu.vector_load %arg6[%get3A_530] {strides = array<i32>} : memref<1024xf32, #tpu.memory_space<vmem>>, vector<16xf32>,
      %get3A_532 = vector.shape_cast %get3A_531 : vector<16xf32> to vector<16xf32>
      %get3A_533 = arith.constant 0 : index
      %get3A_534 = tpu.vector_load %arg8[%get3A_533] {strides = array<i32>} : memref<16xf32, #tpu.memory_space<vmem>>, vector<16xf32>,
      %get3A_535 = vector.shape_cast %get3A_534 : vector<16xf32> to vector<16xf32>
      %mul3A_536 = arith.mulf %get3A_532, %get3A_532 : vector<16xf32>
      %add3A_537 = arith.addf %get3A_535, %mul3A_536 : vector<16xf32>
      %swap3A_538 = arith.constant 0 : index
      %swap3A_539 = tpu.vector_load %arg8[%swap3A_538] {strides = array<i32>} : memref<16xf32, #tpu.memory_space<vmem>>, vector<16xf32>,
      %swap3A_540 = vector.shape_cast %swap3A_539 : vector<16xf32> to vector<16xf32>
      %swap3A_541 = vector.shape_cast %add3A_537 : vector<16xf32> to vector<16xf32>
      tpu.vector_store %arg8[%swap3A_538], %swap3A_541 {strides = array<i32>} : memref<16xf32, #tpu.memory_space<vmem>>, vector<16xf32>,
      %get3A_542 = arith.constant 64 : index
      %get3A_543 = tpu.vector_load %arg6[%get3A_542] {strides = array<i32>} : memref<1024xf32, #tpu.memory_space<vmem>>, vector<16xf32>,
      %get3A_544 = vector.shape_cast %get3A_543 : vector<16xf32> to vector<16xf32>
      %get3A_545 = arith.constant 0 : index
      %get3A_546 = tpu.vector_load %arg8[%get3A_545] {strides = array<i32>} : memref<16xf32, #tpu.memory_space<vmem>>, vector<16xf32>,
      %get3A_547 = vector.shape_cast %get3A_546 : vector<16xf32> to vector<16xf32>
      %mul3A_548 = arith.mulf %get3A_544, %get3A_544 : vector<16xf32>
      %add3A_549 = arith.addf %get3A_547, %mul3A_548 : vector<16xf32>
      %swap3A_550 = arith.constant 0 : index
      %swap3A_551 = tpu.vector_load %arg8[%swap3A_550] {strides = array<i32>} : memref<16xf32, #tpu.memory_space<vmem>>, vector<16xf32>,
      %swap3A_552 = vector.shape_cast %swap3A_551 : vector<16xf32> to vector<16xf32>
      %swap3A_553 = vector.shape_cast %add3A_549 : vector<16xf32> to vector<16xf32>
      tpu.vector_store %arg8[%swap3A_550], %swap3A_553 {strides = array<i32>} : memref<16xf32, #tpu.memory_space<vmem>>, vector<16xf32>,
      %get3A_554 = arith.constant 80 : index
      %get3A_555 = tpu.vector_load %arg6[%get3A_554] {strides = array<i32>} : memref<1024xf32, #tpu.memory_space<vmem>>, vector<16xf32>,
      %get3A_556 = vector.shape_cast %get3A_555 : vector<16xf32> to vector<16xf32>
      %get3A_557 = arith.constant 0 : index
      %get3A_558 = tpu.vector_load %arg8[%get3A_557] {strides = array<i32>} : memref<16xf32, #tpu.memory_space<vmem>>, vector<16xf32>,
      %get3A_559 = vector.shape_cast %get3A_558 : vector<16xf32> to vector<16xf32>
      %mul3A_560 = arith.mulf %get3A_556, %get3A_556 : vector<16xf32>
      %add3A_561 = arith.addf %get3A_559, %mul3A_560 : vector<16xf32>
      %swap3A_562 = arith.constant 0 : index
      %swap3A_563 = tpu.vector_load %arg8[%swap3A_562] {strides = array<i32>} : memref<16xf32, #tpu.memory_space<vmem>>, vector<16xf32>,
      %swap3A_564 = vector.shape_cast %swap3A_563 : vector<16xf32> to vector<16xf32>
      %swap3A_565 = vector.shape_cast %add3A_561 : vector<16xf32> to vector<16xf32>
      tpu.vector_store %arg8[%swap3A_562], %swap3A_565 {strides = array<i32>} : memref<16xf32, #tpu.memory_space<vmem>>, vector<16xf32>,
      %get3A_566 = arith.constant 96 : index
      %get3A_567 = tpu.vector_load %arg6[%get3A_566] {strides = array<i32>} : memref<1024xf32, #tpu.memory_space<vmem>>, vector<16xf32>,
      %get3A_568 = vector.shape_cast %get3A_567 : vector<16xf32> to vector<16xf32>
      %get3A_569 = arith.constant 0 : index
      %get3A_570 = tpu.vector_load %arg8[%get3A_569] {strides = array<i32>} : memref<16xf32, #tpu.memory_space<vmem>>, vector<16xf32>,
      %get3A_571 = vector.shape_cast %get3A_570 : vector<16xf32> to vector<16xf32>
      %mul3A_572 = arith.mulf %get3A_568, %get3A_568 : vector<16xf32>
      %add3A_573 = arith.addf %get3A_571, %mul3A_572 : vector<16xf32>
      %swap3A_574 = arith.constant 0 : index
      %swap3A_575 = tpu.vector_load %arg8[%swap3A_574] {strides = array<i32>} : memref<16xf32, #tpu.memory_space<vmem>>, vector<16xf32>,
      %swap3A_576 = vector.shape_cast %swap3A_575 : vector<16xf32> to vector<16xf32>
      %swap3A_577 = vector.shape_cast %add3A_573 : vector<16xf32> to vector<16xf32>
      tpu.vector_store %arg8[%swap3A_574], %swap3A_577 {strides = array<i32>} : memref<16xf32, #tpu.memory_space<vmem>>, vector<16xf32>,
      %get3A_578 = arith.constant 112 : index
      %get3A_579 = tpu.vector_load %arg6[%get3A_578] {strides = array<i32>} : memref<1024xf32, #tpu.memory_space<vmem>>, vector<16xf32>,
      %get3A_580 = vector.shape_cast %get3A_579 : vector<16xf32> to vector<16xf32>
      %get3A_581 = arith.constant 0 : index
      %get3A_582 = tpu.vector_load %arg8[%get3A_581] {strides = array<i32>} : memref<16xf32, #tpu.memory_space<vmem>>, vector<16xf32>,
      %get3A_583 = vector.shape_cast %get3A_582 : vector<16xf32> to vector<16xf32>
      %mul3A_584 = arith.mulf %get3A_580, %get3A_580 : vector<16xf32>
      %add3A_585 = arith.addf %get3A_583, %mul3A_584 : vector<16xf32>
      %swap3A_586 = arith.constant 0 : index
      %swap3A_587 = tpu.vector_load %arg8[%swap3A_586] {strides = array<i32>} : memref<16xf32, #tpu.memory_space<vmem>>, vector<16xf32>,
      %swap3A_588 = vector.shape_cast %swap3A_587 : vector<16xf32> to vector<16xf32>
      %swap3A_589 = vector.shape_cast %add3A_585 : vector<16xf32> to vector<16xf32>
      tpu.vector_store %arg8[%swap3A_586], %swap3A_589 {strides = array<i32>} : memref<16xf32, #tpu.memory_space<vmem>>, vector<16xf32>,
      %get3A_590 = arith.constant 128 : index
      %get3A_591 = tpu.vector_load %arg6[%get3A_590] {strides = array<i32>} : memref<1024xf32, #tpu.memory_space<vmem>>, vector<16xf32>,
      %get3A_592 = vector.shape_cast %get3A_591 : vector<16xf32> to vector<16xf32>
      %get3A_593 = arith.constant 0 : index
      %get3A_594 = tpu.vector_load %arg8[%get3A_593] {strides = array<i32>} : memref<16xf32, #tpu.memory_space<vmem>>, vector<16xf32>,
      %get3A_595 = vector.shape_cast %get3A_594 : vector<16xf32> to vector<16xf32>
      %mul3A_596 = arith.mulf %get3A_592, %get3A_592 : vector<16xf32>
      %add3A_597 = arith.addf %get3A_595, %mul3A_596 : vector<16xf32>
      %swap3A_598 = arith.constant 0 : index
      %swap3A_599 = tpu.vector_load %arg8[%swap3A_598] {strides = array<i32>} : memref<16xf32, #tpu.memory_space<vmem>>, vector<16xf32>,
      %swap3A_600 = vector.shape_cast %swap3A_599 : vector<16xf32> to vector<16xf32>
      %swap3A_601 = vector.shape_cast %add3A_597 : vector<16xf32> to vector<16xf32>
      tpu.vector_store %arg8[%swap3A_598], %swap3A_601 {strides = array<i32>} : memref<16xf32, #tpu.memory_space<vmem>>, vector<16xf32>,
      %get3A_602 = arith.constant 144 : index
      %get3A_603 = tpu.vector_load %arg6[%get3A_602] {strides = array<i32>} : memref<1024xf32, #tpu.memory_space<vmem>>, vector<16xf32>,
      %get3A_604 = vector.shape_cast %get3A_603 : vector<16xf32> to vector<16xf32>
      %get3A_605 = arith.constant 0 : index
      %get3A_606 = tpu.vector_load %arg8[%get3A_605] {strides = array<i32>} : memref<16xf32, #tpu.memory_space<vmem>>, vector<16xf32>,
      %get3A_607 = vector.shape_cast %get3A_606 : vector<16xf32> to vector<16xf32>
      %mul3A_608 = arith.mulf %get3A_604, %get3A_604 : vector<16xf32>
      %add3A_609 = arith.addf %get3A_607, %mul3A_608 : vector<16xf32>
      %swap3A_610 = arith.constant 0 : index
      %swap3A_611 = tpu.vector_load %arg8[%swap3A_610] {strides = array<i32>} : memref<16xf32, #tpu.memory_space<vmem>>, vector<16xf32>,
      %swap3A_612 = vector.shape_cast %swap3A_611 : vector<16xf32> to vector<16xf32>
      %swap3A_613 = vector.shape_cast %add3A_609 : vector<16xf32> to vector<16xf32>
      tpu.vector_store %arg8[%swap3A_610], %swap3A_613 {strides = array<i32>} : memref<16xf32, #tpu.memory_space<vmem>>, vector<16xf32>,
      %get3A_614 = arith.constant 160 : index
      %get3A_615 = tpu.vector_load %arg6[%get3A_614] {strides = array<i32>} : memref<1024xf32, #tpu.memory_space<vmem>>, vector<16xf32>,
      %get3A_616 = vector.shape_cast %get3A_615 : vector<16xf32> to vector<16xf32>
      %get3A_617 = arith.constant 0 : index
      %get3A_618 = tpu.vector_load %arg8[%get3A_617] {strides = array<i32>} : memref<16xf32, #tpu.memory_space<vmem>>, vector<16xf32>,
      %get3A_619 = vector.shape_cast %get3A_618 : vector<16xf32> to vector<16xf32>
      %mul3A_620 = arith.mulf %get3A_616, %get3A_616 : vector<16xf32>
      %add3A_621 = arith.addf %get3A_619, %mul3A_620 : vector<16xf32>
      %swap3A_622 = arith.constant 0 : index
      %swap3A_623 = tpu.vector_load %arg8[%swap3A_622] {strides = array<i32>} : memref<16xf32, #tpu.memory_space<vmem>>, vector<16xf32>,
      %swap3A_624 = vector.shape_cast %swap3A_623 : vector<16xf32> to vector<16xf32>
      %swap3A_625 = vector.shape_cast %add3A_621 : vector<16xf32> to vector<16xf32>
      tpu.vector_store %arg8[%swap3A_622], %swap3A_625 {strides = array<i32>} : memref<16xf32, #tpu.memory_space<vmem>>, vector<16xf32>,
      %get3A_626 = arith.constant 176 : index
      %get3A_627 = tpu.vector_load %arg6[%get3A_626] {strides = array<i32>} : memref<1024xf32, #tpu.memory_space<vmem>>, vector<16xf32>,
      %get3A_628 = vector.shape_cast %get3A_627 : vector<16xf32> to vector<16xf32>
      %get3A_629 = arith.constant 0 : index
      %get3A_630 = tpu.vector_load %arg8[%get3A_629] {strides = array<i32>} : memref<16xf32, #tpu.memory_space<vmem>>, vector<16xf32>,
      %get3A_631 = vector.shape_cast %get3A_630 : vector<16xf32> to vector<16xf32>
      %mul3A_632 = arith.mulf %get3A_628, %get3A_628 : vector<16xf32>
      %add3A_633 = arith.addf %get3A_631, %mul3A_632 : vector<16xf32>
      %swap3A_634 = arith.constant 0 : index
      %swap3A_635 = tpu.vector_load %arg8[%swap3A_634] {strides = array<i32>} : memref<16xf32, #tpu.memory_space<vmem>>, vector<16xf32>,
      %swap3A_636 = vector.shape_cast %swap3A_635 : vector<16xf32> to vector<16xf32>
      %swap3A_637 = vector.shape_cast %add3A_633 : vector<16xf32> to vector<16xf32>
      tpu.vector_store %arg8[%swap3A_634], %swap3A_637 {strides = array<i32>} : memref<16xf32, #tpu.memory_space<vmem>>, vector<16xf32>,
      %get3A_638 = arith.constant 192 : index
      %get3A_639 = tpu.vector_load %arg6[%get3A_638] {strides = array<i32>} : memref<1024xf32, #tpu.memory_space<vmem>>, vector<16xf32>,
      %get3A_640 = vector.shape_cast %get3A_639 : vector<16xf32> to vector<16xf32>
      %get3A_641 = arith.constant 0 : index
      %get3A_642 = tpu.vector_load %arg8[%get3A_641] {strides = array<i32>} : memref<16xf32, #tpu.memory_space<vmem>>, vector<16xf32>,
      %get3A_643 = vector.shape_cast %get3A_642 : vector<16xf32> to vector<16xf32>
      %mul3A_644 = arith.mulf %get3A_640, %get3A_640 : vector<16xf32>
      %add3A_645 = arith.addf %get3A_643, %mul3A_644 : vector<16xf32>
      %swap3A_646 = arith.constant 0 : index
      %swap3A_647 = tpu.vector_load %arg8[%swap3A_646] {strides = array<i32>} : memref<16xf32, #tpu.memory_space<vmem>>, vector<16xf32>,
      %swap3A_648 = vector.shape_cast %swap3A_647 : vector<16xf32> to vector<16xf32>
      %swap3A_649 = vector.shape_cast %add3A_645 : vector<16xf32> to vector<16xf32>
      tpu.vector_store %arg8[%swap3A_646], %swap3A_649 {strides = array<i32>} : memref<16xf32, #tpu.memory_space<vmem>>, vector<16xf32>,
      %get3A_650 = arith.constant 208 : index
      %get3A_651 = tpu.vector_load %arg6[%get3A_650] {strides = array<i32>} : memref<1024xf32, #tpu.memory_space<vmem>>, vector<16xf32>,
      %get3A_652 = vector.shape_cast %get3A_651 : vector<16xf32> to vector<16xf32>
      %get3A_653 = arith.constant 0 : index
      %get3A_654 = tpu.vector_load %arg8[%get3A_653] {strides = array<i32>} : memref<16xf32, #tpu.memory_space<vmem>>, vector<16xf32>,
      %get3A_655 = vector.shape_cast %get3A_654 : vector<16xf32> to vector<16xf32>
      %mul3A_656 = arith.mulf %get3A_652, %get3A_652 : vector<16xf32>
      %add3A_657 = arith.addf %get3A_655, %mul3A_656 : vector<16xf32>
      %swap3A_658 = arith.constant 0 : index
      %swap3A_659 = tpu.vector_load %arg8[%swap3A_658] {strides = array<i32>} : memref<16xf32, #tpu.memory_space<vmem>>, vector<16xf32>,
      %swap3A_660 = vector.shape_cast %swap3A_659 : vector<16xf32> to vector<16xf32>
      %swap3A_661 = vector.shape_cast %add3A_657 : vector<16xf32> to vector<16xf32>
      tpu.vector_store %arg8[%swap3A_658], %swap3A_661 {strides = array<i32>} : memref<16xf32, #tpu.memory_space<vmem>>, vector<16xf32>,
      %get3A_662 = arith.constant 224 : index
      %get3A_663 = tpu.vector_load %arg6[%get3A_662] {strides = array<i32>} : memref<1024xf32, #tpu.memory_space<vmem>>, vector<16xf32>,
      %get3A_664 = vector.shape_cast %get3A_663 : vector<16xf32> to vector<16xf32>
      %get3A_665 = arith.constant 0 : index
      %get3A_666 = tpu.vector_load %arg8[%get3A_665] {strides = array<i32>} : memref<16xf32, #tpu.memory_space<vmem>>, vector<16xf32>,
      %get3A_667 = vector.shape_cast %get3A_666 : vector<16xf32> to vector<16xf32>
      %mul3A_668 = arith.mulf %get3A_664, %get3A_664 : vector<16xf32>
      %add3A_669 = arith.addf %get3A_667, %mul3A_668 : vector<16xf32>
      %swap3A_670 = arith.constant 0 : index
      %swap3A_671 = tpu.vector_load %arg8[%swap3A_670] {strides = array<i32>} : memref<16xf32, #tpu.memory_space<vmem>>, vector<16xf32>,
      %swap3A_672 = vector.shape_cast %swap3A_671 : vector<16xf32> to vector<16xf32>
      %swap3A_673 = vector.shape_cast %add3A_669 : vector<16xf32> to vector<16xf32>
      tpu.vector_store %arg8[%swap3A_670], %swap3A_673 {strides = array<i32>} : memref<16xf32, #tpu.memory_space<vmem>>, vector<16xf32>,
      %get3A_674 = arith.constant 240 : index
      %get3A_675 = tpu.vector_load %arg6[%get3A_674] {strides = array<i32>} : memref<1024xf32, #tpu.memory_space<vmem>>, vector<16xf32>,
      %get3A_676 = vector.shape_cast %get3A_675 : vector<16xf32> to vector<16xf32>
      %get3A_677 = arith.constant 0 : index
      %get3A_678 = tpu.vector_load %arg8[%get3A_677] {strides = array<i32>} : memref<16xf32, #tpu.memory_space<vmem>>, vector<16xf32>,
      %get3A_679 = vector.shape_cast %get3A_678 : vector<16xf32> to vector<16xf32>
      %mul3A_680 = arith.mulf %get3A_676, %get3A_676 : vector<16xf32>
      %add3A_681 = arith.addf %get3A_679, %mul3A_680 : vector<16xf32>
      %swap3A_682 = arith.constant 0 : index
      %swap3A_683 = tpu.vector_load %arg8[%swap3A_682] {strides = array<i32>} : memref<16xf32, #tpu.memory_space<vmem>>, vector<16xf32>,
      %swap3A_684 = vector.shape_cast %swap3A_683 : vector<16xf32> to vector<16xf32>
      %swap3A_685 = vector.shape_cast %add3A_681 : vector<16xf32> to vector<16xf32>
      tpu.vector_store %arg8[%swap3A_682], %swap3A_685 {strides = array<i32>} : memref<16xf32, #tpu.memory_space<vmem>>, vector<16xf32>,
      %get3A_686 = arith.constant 256 : index
      %get3A_687 = tpu.vector_load %arg6[%get3A_686] {strides = array<i32>} : memref<1024xf32, #tpu.memory_space<vmem>>, vector<16xf32>,
      %get3A_688 = vector.shape_cast %get3A_687 : vector<16xf32> to vector<16xf32>
      %get3A_689 = arith.constant 0 : index
      %get3A_690 = tpu.vector_load %arg8[%get3A_689] {strides = array<i32>} : memref<16xf32, #tpu.memory_space<vmem>>, vector<16xf32>,
      %get3A_691 = vector.shape_cast %get3A_690 : vector<16xf32> to vector<16xf32>
      %mul3A_692 = arith.mulf %get3A_688, %get3A_688 : vector<16xf32>
      %add3A_693 = arith.addf %get3A_691, %mul3A_692 : vector<16xf32>
      %swap3A_694 = arith.constant 0 : index
      %swap3A_695 = tpu.vector_load %arg8[%swap3A_694] {strides = array<i32>} : memref<16xf32, #tpu.memory_space<vmem>>, vector<16xf32>,
      %swap3A_696 = vector.shape_cast %swap3A_695 : vector<16xf32> to vector<16xf32>
      %swap3A_697 = vector.shape_cast %add3A_693 : vector<16xf32> to vector<16xf32>
      tpu.vector_store %arg8[%swap3A_694], %swap3A_697 {strides = array<i32>} : memref<16xf32, #tpu.memory_space<vmem>>, vector<16xf32>,
      %get3A_698 = arith.constant 272 : index
      %get3A_699 = tpu.vector_load %arg6[%get3A_698] {strides = array<i32>} : memref<1024xf32, #tpu.memory_space<vmem>>, vector<16xf32>,
      %get3A_700 = vector.shape_cast %get3A_699 : vector<16xf32> to vector<16xf32>
      %get3A_701 = arith.constant 0 : index
      %get3A_702 = tpu.vector_load %arg8[%get3A_701] {strides = array<i32>} : memref<16xf32, #tpu.memory_space<vmem>>, vector<16xf32>,
      %get3A_703 = vector.shape_cast %get3A_702 : vector<16xf32> to vector<16xf32>
      %mul3A_704 = arith.mulf %get3A_700, %get3A_700 : vector<16xf32>
      %add3A_705 = arith.addf %get3A_703, %mul3A_704 : vector<16xf32>
      %swap3A_706 = arith.constant 0 : index
      %swap3A_707 = tpu.vector_load %arg8[%swap3A_706] {strides = array<i32>} : memref<16xf32, #tpu.memory_space<vmem>>, vector<16xf32>,
      %swap3A_708 = vector.shape_cast %swap3A_707 : vector<16xf32> to vector<16xf32>
      %swap3A_709 = vector.shape_cast %add3A_705 : vector<16xf32> to vector<16xf32>
      tpu.vector_store %arg8[%swap3A_706], %swap3A_709 {strides = array<i32>} : memref<16xf32, #tpu.memory_space<vmem>>, vector<16xf32>,
      %get3A_710 = arith.constant 288 : index
      %get3A_711 = tpu.vector_load %arg6[%get3A_710] {strides = array<i32>} : memref<1024xf32, #tpu.memory_space<vmem>>, vector<16xf32>,
      %get3A_712 = vector.shape_cast %get3A_711 : vector<16xf32> to vector<16xf32>
      %get3A_713 = arith.constant 0 : index
      %get3A_714 = tpu.vector_load %arg8[%get3A_713] {strides = array<i32>} : memref<16xf32, #tpu.memory_space<vmem>>, vector<16xf32>,
      %get3A_715 = vector.shape_cast %get3A_714 : vector<16xf32> to vector<16xf32>
      %mul3A_716 = arith.mulf %get3A_712, %get3A_712 : vector<16xf32>
      %add3A_717 = arith.addf %get3A_715, %mul3A_716 : vector<16xf32>
      %swap3A_718 = arith.constant 0 : index
      %swap3A_719 = tpu.vector_load %arg8[%swap3A_718] {strides = array<i32>} : memref<16xf32, #tpu.memory_space<vmem>>, vector<16xf32>,
      %swap3A_720 = vector.shape_cast %swap3A_719 : vector<16xf32> to vector<16xf32>
      %swap3A_721 = vector.shape_cast %add3A_717 : vector<16xf32> to vector<16xf32>
      tpu.vector_store %arg8[%swap3A_718], %swap3A_721 {strides = array<i32>} : memref<16xf32, #tpu.memory_space<vmem>>, vector<16xf32>,
      %get3A_722 = arith.constant 304 : index
      %get3A_723 = tpu.vector_load %arg6[%get3A_722] {strides = array<i32>} : memref<1024xf32, #tpu.memory_space<vmem>>, vector<16xf32>,
      %get3A_724 = vector.shape_cast %get3A_723 : vector<16xf32> to vector<16xf32>
      %get3A_725 = arith.constant 0 : index
      %get3A_726 = tpu.vector_load %arg8[%get3A_725] {strides = array<i32>} : memref<16xf32, #tpu.memory_space<vmem>>, vector<16xf32>,
      %get3A_727 = vector.shape_cast %get3A_726 : vector<16xf32> to vector<16xf32>
      %mul3A_728 = arith.mulf %get3A_724, %get3A_724 : vector<16xf32>
      %add3A_729 = arith.addf %get3A_727, %mul3A_728 : vector<16xf32>
      %swap3A_730 = arith.constant 0 : index
      %swap3A_731 = tpu.vector_load %arg8[%swap3A_730] {strides = array<i32>} : memref<16xf32, #tpu.memory_space<vmem>>, vector<16xf32>,
      %swap3A_732 = vector.shape_cast %swap3A_731 : vector<16xf32> to vector<16xf32>
      %swap3A_733 = vector.shape_cast %add3A_729 : vector<16xf32> to vector<16xf32>
      tpu.vector_store %arg8[%swap3A_730], %swap3A_733 {strides = array<i32>} : memref<16xf32, #tpu.memory_space<vmem>>, vector<16xf32>,
      %get3A_734 = arith.constant 320 : index
      %get3A_735 = tpu.vector_load %arg6[%get3A_734] {strides = array<i32>} : memref<1024xf32, #tpu.memory_space<vmem>>, vector<16xf32>,
      %get3A_736 = vector.shape_cast %get3A_735 : vector<16xf32> to vector<16xf32>
      %get3A_737 = arith.constant 0 : index
      %get3A_738 = tpu.vector_load %arg8[%get3A_737] {strides = array<i32>} : memref<16xf32, #tpu.memory_space<vmem>>, vector<16xf32>,
      %get3A_739 = vector.shape_cast %get3A_738 : vector<16xf32> to vector<16xf32>
      %mul3A_740 = arith.mulf %get3A_736, %get3A_736 : vector<16xf32>
      %add3A_741 = arith.addf %get3A_739, %mul3A_740 : vector<16xf32>
      %swap3A_742 = arith.constant 0 : index
      %swap3A_743 = tpu.vector_load %arg8[%swap3A_742] {strides = array<i32>} : memref<16xf32, #tpu.memory_space<vmem>>, vector<16xf32>,
      %swap3A_744 = vector.shape_cast %swap3A_743 : vector<16xf32> to vector<16xf32>
      %swap3A_745 = vector.shape_cast %add3A_741 : vector<16xf32> to vector<16xf32>
      tpu.vector_store %arg8[%swap3A_742], %swap3A_745 {strides = array<i32>} : memref<16xf32, #tpu.memory_space<vmem>>, vector<16xf32>,
      %get3A_746 = arith.constant 336 : index
      %get3A_747 = tpu.vector_load %arg6[%get3A_746] {strides = array<i32>} : memref<1024xf32, #tpu.memory_space<vmem>>, vector<16xf32>,
      %get3A_748 = vector.shape_cast %get3A_747 : vector<16xf32> to vector<16xf32>
      %get3A_749 = arith.constant 0 : index
      %get3A_750 = tpu.vector_load %arg8[%get3A_749] {strides = array<i32>} : memref<16xf32, #tpu.memory_space<vmem>>, vector<16xf32>,
      %get3A_751 = vector.shape_cast %get3A_750 : vector<16xf32> to vector<16xf32>
      %mul3A_752 = arith.mulf %get3A_748, %get3A_748 : vector<16xf32>
      %add3A_753 = arith.addf %get3A_751, %mul3A_752 : vector<16xf32>
      %swap3A_754 = arith.constant 0 : index
      %swap3A_755 = tpu.vector_load %arg8[%swap3A_754] {strides = array<i32>} : memref<16xf32, #tpu.memory_space<vmem>>, vector<16xf32>,
      %swap3A_756 = vector.shape_cast %swap3A_755 : vector<16xf32> to vector<16xf32>
      %swap3A_757 = vector.shape_cast %add3A_753 : vector<16xf32> to vector<16xf32>
      tpu.vector_store %arg8[%swap3A_754], %swap3A_757 {strides = array<i32>} : memref<16xf32, #tpu.memory_space<vmem>>, vector<16xf32>,
      %get3A_758 = arith.constant 352 : index
      %get3A_759 = tpu.vector_load %arg6[%get3A_758] {strides = array<i32>} : memref<1024xf32, #tpu.memory_space<vmem>>, vector<16xf32>,
      %get3A_760 = vector.shape_cast %get3A_759 : vector<16xf32> to vector<16xf32>
      %get3A_761 = arith.constant 0 : index
      %get3A_762 = tpu.vector_load %arg8[%get3A_761] {strides = array<i32>} : memref<16xf32, #tpu.memory_space<vmem>>, vector<16xf32>,
      %get3A_763 = vector.shape_cast %get3A_762 : vector<16xf32> to vector<16xf32>
      %mul3A_764 = arith.mulf %get3A_760, %get3A_760 : vector<16xf32>
      %add3A_765 = arith.addf %get3A_763, %mul3A_764 : vector<16xf32>
      %swap3A_766 = arith.constant 0 : index
      %swap3A_767 = tpu.vector_load %arg8[%swap3A_766] {strides = array<i32>} : memref<16xf32, #tpu.memory_space<vmem>>, vector<16xf32>,
      %swap3A_768 = vector.shape_cast %swap3A_767 : vector<16xf32> to vector<16xf32>
      %swap3A_769 = vector.shape_cast %add3A_765 : vector<16xf32> to vector<16xf32>
      tpu.vector_store %arg8[%swap3A_766], %swap3A_769 {strides = array<i32>} : memref<16xf32, #tpu.memory_space<vmem>>, vector<16xf32>,
      %get3A_770 = arith.constant 368 : index
      %get3A_771 = tpu.vector_load %arg6[%get3A_770] {strides = array<i32>} : memref<1024xf32, #tpu.memory_space<vmem>>, vector<16xf32>,
      %get3A_772 = vector.shape_cast %get3A_771 : vector<16xf32> to vector<16xf32>
      %get3A_773 = arith.constant 0 : index
      %get3A_774 = tpu.vector_load %arg8[%get3A_773] {strides = array<i32>} : memref<16xf32, #tpu.memory_space<vmem>>, vector<16xf32>,
      %get3A_775 = vector.shape_cast %get3A_774 : vector<16xf32> to vector<16xf32>
      %mul3A_776 = arith.mulf %get3A_772, %get3A_772 : vector<16xf32>
      %add3A_777 = arith.addf %get3A_775, %mul3A_776 : vector<16xf32>
      %swap3A_778 = arith.constant 0 : index
      %swap3A_779 = tpu.vector_load %arg8[%swap3A_778] {strides = array<i32>} : memref<16xf32, #tpu.memory_space<vmem>>, vector<16xf32>,
      %swap3A_780 = vector.shape_cast %swap3A_779 : vector<16xf32> to vector<16xf32>
      %swap3A_781 = vector.shape_cast %add3A_777 : vector<16xf32> to vector<16xf32>
      tpu.vector_store %arg8[%swap3A_778], %swap3A_781 {strides = array<i32>} : memref<16xf32, #tpu.memory_space<vmem>>, vector<16xf32>,
      %get3A_782 = arith.constant 384 : index
      %get3A_783 = tpu.vector_load %arg6[%get3A_782] {strides = array<i32>} : memref<1024xf32, #tpu.memory_space<vmem>>, vector<16xf32>,
      %get3A_784 = vector.shape_cast %get3A_783 : vector<16xf32> to vector<16xf32>
      %get3A_785 = arith.constant 0 : index
      %get3A_786 = tpu.vector_load %arg8[%get3A_785] {strides = array<i32>} : memref<16xf32, #tpu.memory_space<vmem>>, vector<16xf32>,
      %get3A_787 = vector.shape_cast %get3A_786 : vector<16xf32> to vector<16xf32>
      %mul3A_788 = arith.mulf %get3A_784, %get3A_784 : vector<16xf32>
      %add3A_789 = arith.addf %get3A_787, %mul3A_788 : vector<16xf32>
      %swap3A_790 = arith.constant 0 : index
      %swap3A_791 = tpu.vector_load %arg8[%swap3A_790] {strides = array<i32>} : memref<16xf32, #tpu.memory_space<vmem>>, vector<16xf32>,
      %swap3A_792 = vector.shape_cast %swap3A_791 : vector<16xf32> to vector<16xf32>
      %swap3A_793 = vector.shape_cast %add3A_789 : vector<16xf32> to vector<16xf32>
      tpu.vector_store %arg8[%swap3A_790], %swap3A_793 {strides = array<i32>} : memref<16xf32, #tpu.memory_space<vmem>>, vector<16xf32>,
      %get3A_794 = arith.constant 400 : index
      %get3A_795 = tpu.vector_load %arg6[%get3A_794] {strides = array<i32>} : memref<1024xf32, #tpu.memory_space<vmem>>, vector<16xf32>,
      %get3A_796 = vector.shape_cast %get3A_795 : vector<16xf32> to vector<16xf32>
      %get3A_797 = arith.constant 0 : index
      %get3A_798 = tpu.vector_load %arg8[%get3A_797] {strides = array<i32>} : memref<16xf32, #tpu.memory_space<vmem>>, vector<16xf32>,
      %get3A_799 = vector.shape_cast %get3A_798 : vector<16xf32> to vector<16xf32>
      %mul3A_800 = arith.mulf %get3A_796, %get3A_796 : vector<16xf32>
      %add3A_801 = arith.addf %get3A_799, %mul3A_800 : vector<16xf32>
      %swap3A_802 = arith.constant 0 : index
      %swap3A_803 = tpu.vector_load %arg8[%swap3A_802] {strides = array<i32>} : memref<16xf32, #tpu.memory_space<vmem>>, vector<16xf32>,
      %swap3A_804 = vector.shape_cast %swap3A_803 : vector<16xf32> to vector<16xf32>
      %swap3A_805 = vector.shape_cast %add3A_801 : vector<16xf32> to vector<16xf32>
      tpu.vector_store %arg8[%swap3A_802], %swap3A_805 {strides = array<i32>} : memref<16xf32, #tpu.memory_space<vmem>>, vector<16xf32>,
      %get3A_806 = arith.constant 416 : index
      %get3A_807 = tpu.vector_load %arg6[%get3A_806] {strides = array<i32>} : memref<1024xf32, #tpu.memory_space<vmem>>, vector<16xf32>,
      %get3A_808 = vector.shape_cast %get3A_807 : vector<16xf32> to vector<16xf32>
      %get3A_809 = arith.constant 0 : index
      %get3A_810 = tpu.vector_load %arg8[%get3A_809] {strides = array<i32>} : memref<16xf32, #tpu.memory_space<vmem>>, vector<16xf32>,
      %get3A_811 = vector.shape_cast %get3A_810 : vector<16xf32> to vector<16xf32>
      %mul3A_812 = arith.mulf %get3A_808, %get3A_808 : vector<16xf32>
      %add3A_813 = arith.addf %get3A_811, %mul3A_812 : vector<16xf32>
      %swap3A_814 = arith.constant 0 : index
      %swap3A_815 = tpu.vector_load %arg8[%swap3A_814] {strides = array<i32>} : memref<16xf32, #tpu.memory_space<vmem>>, vector<16xf32>,
      %swap3A_816 = vector.shape_cast %swap3A_815 : vector<16xf32> to vector<16xf32>
      %swap3A_817 = vector.shape_cast %add3A_813 : vector<16xf32> to vector<16xf32>
      tpu.vector_store %arg8[%swap3A_814], %swap3A_817 {strides = array<i32>} : memref<16xf32, #tpu.memory_space<vmem>>, vector<16xf32>,
      %get3A_818 = arith.constant 432 : index
      %get3A_819 = tpu.vector_load %arg6[%get3A_818] {strides = array<i32>} : memref<1024xf32, #tpu.memory_space<vmem>>, vector<16xf32>,
      %get3A_820 = vector.shape_cast %get3A_819 : vector<16xf32> to vector<16xf32>
      %get3A_821 = arith.constant 0 : index
      %get3A_822 = tpu.vector_load %arg8[%get3A_821] {strides = array<i32>} : memref<16xf32, #tpu.memory_space<vmem>>, vector<16xf32>,
      %get3A_823 = vector.shape_cast %get3A_822 : vector<16xf32> to vector<16xf32>
      %mul3A_824 = arith.mulf %get3A_820, %get3A_820 : vector<16xf32>
      %add3A_825 = arith.addf %get3A_823, %mul3A_824 : vector<16xf32>
      %swap3A_826 = arith.constant 0 : index
      %swap3A_827 = tpu.vector_load %arg8[%swap3A_826] {strides = array<i32>} : memref<16xf32, #tpu.memory_space<vmem>>, vector<16xf32>,
      %swap3A_828 = vector.shape_cast %swap3A_827 : vector<16xf32> to vector<16xf32>
      %swap3A_829 = vector.shape_cast %add3A_825 : vector<16xf32> to vector<16xf32>
      tpu.vector_store %arg8[%swap3A_826], %swap3A_829 {strides = array<i32>} : memref<16xf32, #tpu.memory_space<vmem>>, vector<16xf32>,
      %get3A_830 = arith.constant 448 : index
      %get3A_831 = tpu.vector_load %arg6[%get3A_830] {strides = array<i32>} : memref<1024xf32, #tpu.memory_space<vmem>>, vector<16xf32>,
      %get3A_832 = vector.shape_cast %get3A_831 : vector<16xf32> to vector<16xf32>
      %get3A_833 = arith.constant 0 : index
      %get3A_834 = tpu.vector_load %arg8[%get3A_833] {strides = array<i32>} : memref<16xf32, #tpu.memory_space<vmem>>, vector<16xf32>,
      %get3A_835 = vector.shape_cast %get3A_834 : vector<16xf32> to vector<16xf32>
      %mul3A_836 = arith.mulf %get3A_832, %get3A_832 : vector<16xf32>
      %add3A_837 = arith.addf %get3A_835, %mul3A_836 : vector<16xf32>
      %swap3A_838 = arith.constant 0 : index
      %swap3A_839 = tpu.vector_load %arg8[%swap3A_838] {strides = array<i32>} : memref<16xf32, #tpu.memory_space<vmem>>, vector<16xf32>,
      %swap3A_840 = vector.shape_cast %swap3A_839 : vector<16xf32> to vector<16xf32>
      %swap3A_841 = vector.shape_cast %add3A_837 : vector<16xf32> to vector<16xf32>
      tpu.vector_store %arg8[%swap3A_838], %swap3A_841 {strides = array<i32>} : memref<16xf32, #tpu.memory_space<vmem>>, vector<16xf32>,
      %get3A_842 = arith.constant 464 : index
      %get3A_843 = tpu.vector_load %arg6[%get3A_842] {strides = array<i32>} : memref<1024xf32, #tpu.memory_space<vmem>>, vector<16xf32>,
      %get3A_844 = vector.shape_cast %get3A_843 : vector<16xf32> to vector<16xf32>
      %get3A_845 = arith.constant 0 : index
      %get3A_846 = tpu.vector_load %arg8[%get3A_845] {strides = array<i32>} : memref<16xf32, #tpu.memory_space<vmem>>, vector<16xf32>,
      %get3A_847 = vector.shape_cast %get3A_846 : vector<16xf32> to vector<16xf32>
      %mul3A_848 = arith.mulf %get3A_844, %get3A_844 : vector<16xf32>
      %add3A_849 = arith.addf %get3A_847, %mul3A_848 : vector<16xf32>
      %swap3A_850 = arith.constant 0 : index
      %swap3A_851 = tpu.vector_load %arg8[%swap3A_850] {strides = array<i32>} : memref<16xf32, #tpu.memory_space<vmem>>, vector<16xf32>,
      %swap3A_852 = vector.shape_cast %swap3A_851 : vector<16xf32> to vector<16xf32>
      %swap3A_853 = vector.shape_cast %add3A_849 : vector<16xf32> to vector<16xf32>
      tpu.vector_store %arg8[%swap3A_850], %swap3A_853 {strides = array<i32>} : memref<16xf32, #tpu.memory_space<vmem>>, vector<16xf32>,
      %get3A_854 = arith.constant 480 : index
      %get3A_855 = tpu.vector_load %arg6[%get3A_854] {strides = array<i32>} : memref<1024xf32, #tpu.memory_space<vmem>>, vector<16xf32>,
      %get3A_856 = vector.shape_cast %get3A_855 : vector<16xf32> to vector<16xf32>
      %get3A_857 = arith.constant 0 : index
      %get3A_858 = tpu.vector_load %arg8[%get3A_857] {strides = array<i32>} : memref<16xf32, #tpu.memory_space<vmem>>, vector<16xf32>,
      %get3A_859 = vector.shape_cast %get3A_858 : vector<16xf32> to vector<16xf32>
      %mul3A_860 = arith.mulf %get3A_856, %get3A_856 : vector<16xf32>
      %add3A_861 = arith.addf %get3A_859, %mul3A_860 : vector<16xf32>
      %swap3A_862 = arith.constant 0 : index
      %swap3A_863 = tpu.vector_load %arg8[%swap3A_862] {strides = array<i32>} : memref<16xf32, #tpu.memory_space<vmem>>, vector<16xf32>,
      %swap3A_864 = vector.shape_cast %swap3A_863 : vector<16xf32> to vector<16xf32>
      %swap3A_865 = vector.shape_cast %add3A_861 : vector<16xf32> to vector<16xf32>
      tpu.vector_store %arg8[%swap3A_862], %swap3A_865 {strides = array<i32>} : memref<16xf32, #tpu.memory_space<vmem>>, vector<16xf32>,
      %get3A_866 = arith.constant 496 : index
      %get3A_867 = tpu.vector_load %arg6[%get3A_866] {strides = array<i32>} : memref<1024xf32, #tpu.memory_space<vmem>>, vector<16xf32>,
      %get3A_868 = vector.shape_cast %get3A_867 : vector<16xf32> to vector<16xf32>
      %get3A_869 = arith.constant 0 : index
      %get3A_870 = tpu.vector_load %arg8[%get3A_869] {strides = array<i32>} : memref<16xf32, #tpu.memory_space<vmem>>, vector<16xf32>,
      %get3A_871 = vector.shape_cast %get3A_870 : vector<16xf32> to vector<16xf32>
      %mul3A_872 = arith.mulf %get3A_868, %get3A_868 : vector<16xf32>
      %add3A_873 = arith.addf %get3A_871, %mul3A_872 : vector<16xf32>
      %swap3A_874 = arith.constant 0 : index
      %swap3A_875 = tpu.vector_load %arg8[%swap3A_874] {strides = array<i32>} : memref<16xf32, #tpu.memory_space<vmem>>, vector<16xf32>,
      %swap3A_876 = vector.shape_cast %swap3A_875 : vector<16xf32> to vector<16xf32>
      %swap3A_877 = vector.shape_cast %add3A_873 : vector<16xf32> to vector<16xf32>
      tpu.vector_store %arg8[%swap3A_874], %swap3A_877 {strides = array<i32>} : memref<16xf32, #tpu.memory_space<vmem>>, vector<16xf32>,
      %get3A_878 = arith.constant 512 : index
      %get3A_879 = tpu.vector_load %arg6[%get3A_878] {strides = array<i32>} : memref<1024xf32, #tpu.memory_space<vmem>>, vector<16xf32>,
      %get3A_880 = vector.shape_cast %get3A_879 : vector<16xf32> to vector<16xf32>
      %get3A_881 = arith.constant 0 : index
      %get3A_882 = tpu.vector_load %arg8[%get3A_881] {strides = array<i32>} : memref<16xf32, #tpu.memory_space<vmem>>, vector<16xf32>,
      %get3A_883 = vector.shape_cast %get3A_882 : vector<16xf32> to vector<16xf32>
      %mul3A_884 = arith.mulf %get3A_880, %get3A_880 : vector<16xf32>
      %add3A_885 = arith.addf %get3A_883, %mul3A_884 : vector<16xf32>
      %swap3A_886 = arith.constant 0 : index
      %swap3A_887 = tpu.vector_load %arg8[%swap3A_886] {strides = array<i32>} : memref<16xf32, #tpu.memory_space<vmem>>, vector<16xf32>,
      %swap3A_888 = vector.shape_cast %swap3A_887 : vector<16xf32> to vector<16xf32>
      %swap3A_889 = vector.shape_cast %add3A_885 : vector<16xf32> to vector<16xf32>
      tpu.vector_store %arg8[%swap3A_886], %swap3A_889 {strides = array<i32>} : memref<16xf32, #tpu.memory_space<vmem>>, vector<16xf32>,
      %get3A_890 = arith.constant 528 : index
      %get3A_891 = tpu.vector_load %arg6[%get3A_890] {strides = array<i32>} : memref<1024xf32, #tpu.memory_space<vmem>>, vector<16xf32>,
      %get3A_892 = vector.shape_cast %get3A_891 : vector<16xf32> to vector<16xf32>
      %get3A_893 = arith.constant 0 : index
      %get3A_894 = tpu.vector_load %arg8[%get3A_893] {strides = array<i32>} : memref<16xf32, #tpu.memory_space<vmem>>, vector<16xf32>,
      %get3A_895 = vector.shape_cast %get3A_894 : vector<16xf32> to vector<16xf32>
      %mul3A_896 = arith.mulf %get3A_892, %get3A_892 : vector<16xf32>
      %add3A_897 = arith.addf %get3A_895, %mul3A_896 : vector<16xf32>
      %swap3A_898 = arith.constant 0 : index
      %swap3A_899 = tpu.vector_load %arg8[%swap3A_898] {strides = array<i32>} : memref<16xf32, #tpu.memory_space<vmem>>, vector<16xf32>,
      %swap3A_900 = vector.shape_cast %swap3A_899 : vector<16xf32> to vector<16xf32>
      %swap3A_901 = vector.shape_cast %add3A_897 : vector<16xf32> to vector<16xf32>
      tpu.vector_store %arg8[%swap3A_898], %swap3A_901 {strides = array<i32>} : memref<16xf32, #tpu.memory_space<vmem>>, vector<16xf32>,
      %get3A_902 = arith.constant 544 : index
      %get3A_903 = tpu.vector_load %arg6[%get3A_902] {strides = array<i32>} : memref<1024xf32, #tpu.memory_space<vmem>>, vector<16xf32>,
      %get3A_904 = vector.shape_cast %get3A_903 : vector<16xf32> to vector<16xf32>
      %get3A_905 = arith.constant 0 : index
      %get3A_906 = tpu.vector_load %arg8[%get3A_905] {strides = array<i32>} : memref<16xf32, #tpu.memory_space<vmem>>, vector<16xf32>,
      %get3A_907 = vector.shape_cast %get3A_906 : vector<16xf32> to vector<16xf32>
      %mul3A_908 = arith.mulf %get3A_904, %get3A_904 : vector<16xf32>
      %add3A_909 = arith.addf %get3A_907, %mul3A_908 : vector<16xf32>
      %swap3A_910 = arith.constant 0 : index
      %swap3A_911 = tpu.vector_load %arg8[%swap3A_910] {strides = array<i32>} : memref<16xf32, #tpu.memory_space<vmem>>, vector<16xf32>,
      %swap3A_912 = vector.shape_cast %swap3A_911 : vector<16xf32> to vector<16xf32>
      %swap3A_913 = vector.shape_cast %add3A_909 : vector<16xf32> to vector<16xf32>
      tpu.vector_store %arg8[%swap3A_910], %swap3A_913 {strides = array<i32>} : memref<16xf32, #tpu.memory_space<vmem>>, vector<16xf32>,
      %get3A_914 = arith.constant 560 : index
      %get3A_915 = tpu.vector_load %arg6[%get3A_914] {strides = array<i32>} : memref<1024xf32, #tpu.memory_space<vmem>>, vector<16xf32>,
      %get3A_916 = vector.shape_cast %get3A_915 : vector<16xf32> to vector<16xf32>
      %get3A_917 = arith.constant 0 : index
      %get3A_918 = tpu.vector_load %arg8[%get3A_917] {strides = array<i32>} : memref<16xf32, #tpu.memory_space<vmem>>, vector<16xf32>,
      %get3A_919 = vector.shape_cast %get3A_918 : vector<16xf32> to vector<16xf32>
      %mul3A_920 = arith.mulf %get3A_916, %get3A_916 : vector<16xf32>
      %add3A_921 = arith.addf %get3A_919, %mul3A_920 : vector<16xf32>
      %swap3A_922 = arith.constant 0 : index
      %swap3A_923 = tpu.vector_load %arg8[%swap3A_922] {strides = array<i32>} : memref<16xf32, #tpu.memory_space<vmem>>, vector<16xf32>,
      %swap3A_924 = vector.shape_cast %swap3A_923 : vector<16xf32> to vector<16xf32>
      %swap3A_925 = vector.shape_cast %add3A_921 : vector<16xf32> to vector<16xf32>
      tpu.vector_store %arg8[%swap3A_922], %swap3A_925 {strides = array<i32>} : memref<16xf32, #tpu.memory_space<vmem>>, vector<16xf32>,
      %get3A_926 = arith.constant 576 : index
      %get3A_927 = tpu.vector_load %arg6[%get3A_926] {strides = array<i32>} : memref<1024xf32, #tpu.memory_space<vmem>>, vector<16xf32>,
      %get3A_928 = vector.shape_cast %get3A_927 : vector<16xf32> to vector<16xf32>
      %get3A_929 = arith.constant 0 : index
      %get3A_930 = tpu.vector_load %arg8[%get3A_929] {strides = array<i32>} : memref<16xf32, #tpu.memory_space<vmem>>, vector<16xf32>,
      %get3A_931 = vector.shape_cast %get3A_930 : vector<16xf32> to vector<16xf32>
      %mul3A_932 = arith.mulf %get3A_928, %get3A_928 : vector<16xf32>
      %add3A_933 = arith.addf %get3A_931, %mul3A_932 : vector<16xf32>
      %swap3A_934 = arith.constant 0 : index
      %swap3A_935 = tpu.vector_load %arg8[%swap3A_934] {strides = array<i32>} : memref<16xf32, #tpu.memory_space<vmem>>, vector<16xf32>,
      %swap3A_936 = vector.shape_cast %swap3A_935 : vector<16xf32> to vector<16xf32>
      %swap3A_937 = vector.shape_cast %add3A_933 : vector<16xf32> to vector<16xf32>
      tpu.vector_store %arg8[%swap3A_934], %swap3A_937 {strides = array<i32>} : memref<16xf32, #tpu.memory_space<vmem>>, vector<16xf32>,
      %get3A_938 = arith.constant 592 : index
      %get3A_939 = tpu.vector_load %arg6[%get3A_938] {strides = array<i32>} : memref<1024xf32, #tpu.memory_space<vmem>>, vector<16xf32>,
      %get3A_940 = vector.shape_cast %get3A_939 : vector<16xf32> to vector<16xf32>
      %get3A_941 = arith.constant 0 : index
      %get3A_942 = tpu.vector_load %arg8[%get3A_941] {strides = array<i32>} : memref<16xf32, #tpu.memory_space<vmem>>, vector<16xf32>,
      %get3A_943 = vector.shape_cast %get3A_942 : vector<16xf32> to vector<16xf32>
      %mul3A_944 = arith.mulf %get3A_940, %get3A_940 : vector<16xf32>
      %add3A_945 = arith.addf %get3A_943, %mul3A_944 : vector<16xf32>
      %swap3A_946 = arith.constant 0 : index
      %swap3A_947 = tpu.vector_load %arg8[%swap3A_946] {strides = array<i32>} : memref<16xf32, #tpu.memory_space<vmem>>, vector<16xf32>,
      %swap3A_948 = vector.shape_cast %swap3A_947 : vector<16xf32> to vector<16xf32>
      %swap3A_949 = vector.shape_cast %add3A_945 : vector<16xf32> to vector<16xf32>
      tpu.vector_store %arg8[%swap3A_946], %swap3A_949 {strides = array<i32>} : memref<16xf32, #tpu.memory_space<vmem>>, vector<16xf32>,
      %get3A_950 = arith.constant 608 : index
      %get3A_951 = tpu.vector_load %arg6[%get3A_950] {strides = array<i32>} : memref<1024xf32, #tpu.memory_space<vmem>>, vector<16xf32>,
      %get3A_952 = vector.shape_cast %get3A_951 : vector<16xf32> to vector<16xf32>
      %get3A_953 = arith.constant 0 : index
      %get3A_954 = tpu.vector_load %arg8[%get3A_953] {strides = array<i32>} : memref<16xf32, #tpu.memory_space<vmem>>, vector<16xf32>,
      %get3A_955 = vector.shape_cast %get3A_954 : vector<16xf32> to vector<16xf32>
      %mul3A_956 = arith.mulf %get3A_952, %get3A_952 : vector<16xf32>
      %add3A_957 = arith.addf %get3A_955, %mul3A_956 : vector<16xf32>
      %swap3A_958 = arith.constant 0 : index
      %swap3A_959 = tpu.vector_load %arg8[%swap3A_958] {strides = array<i32>} : memref<16xf32, #tpu.memory_space<vmem>>, vector<16xf32>,
      %swap3A_960 = vector.shape_cast %swap3A_959 : vector<16xf32> to vector<16xf32>
      %swap3A_961 = vector.shape_cast %add3A_957 : vector<16xf32> to vector<16xf32>
      tpu.vector_store %arg8[%swap3A_958], %swap3A_961 {strides = array<i32>} : memref<16xf32, #tpu.memory_space<vmem>>, vector<16xf32>,
      %get3A_962 = arith.constant 624 : index
      %get3A_963 = tpu.vector_load %arg6[%get3A_962] {strides = array<i32>} : memref<1024xf32, #tpu.memory_space<vmem>>, vector<16xf32>,
      %get3A_964 = vector.shape_cast %get3A_963 : vector<16xf32> to vector<16xf32>
      %get3A_965 = arith.constant 0 : index
      %get3A_966 = tpu.vector_load %arg8[%get3A_965] {strides = array<i32>} : memref<16xf32, #tpu.memory_space<vmem>>, vector<16xf32>,
      %get3A_967 = vector.shape_cast %get3A_966 : vector<16xf32> to vector<16xf32>
      %mul3A_968 = arith.mulf %get3A_964, %get3A_964 : vector<16xf32>
      %add3A_969 = arith.addf %get3A_967, %mul3A_968 : vector<16xf32>
      %swap3A_970 = arith.constant 0 : index
      %swap3A_971 = tpu.vector_load %arg8[%swap3A_970] {strides = array<i32>} : memref<16xf32, #tpu.memory_space<vmem>>, vector<16xf32>,
      %swap3A_972 = vector.shape_cast %swap3A_971 : vector<16xf32> to vector<16xf32>
      %swap3A_973 = vector.shape_cast %add3A_969 : vector<16xf32> to vector<16xf32>
      tpu.vector_store %arg8[%swap3A_970], %swap3A_973 {strides = array<i32>} : memref<16xf32, #tpu.memory_space<vmem>>, vector<16xf32>,
      %get3A_974 = arith.constant 640 : index
      %get3A_975 = tpu.vector_load %arg6[%get3A_974] {strides = array<i32>} : memref<1024xf32, #tpu.memory_space<vmem>>, vector<16xf32>,
      %get3A_976 = vector.shape_cast %get3A_975 : vector<16xf32> to vector<16xf32>
      %get3A_977 = arith.constant 0 : index
      %get3A_978 = tpu.vector_load %arg8[%get3A_977] {strides = array<i32>} : memref<16xf32, #tpu.memory_space<vmem>>, vector<16xf32>,
      %get3A_979 = vector.shape_cast %get3A_978 : vector<16xf32> to vector<16xf32>
      %mul3A_980 = arith.mulf %get3A_976, %get3A_976 : vector<16xf32>
      %add3A_981 = arith.addf %get3A_979, %mul3A_980 : vector<16xf32>
      %swap3A_982 = arith.constant 0 : index
      %swap3A_983 = tpu.vector_load %arg8[%swap3A_982] {strides = array<i32>} : memref<16xf32, #tpu.memory_space<vmem>>, vector<16xf32>,
      %swap3A_984 = vector.shape_cast %swap3A_983 : vector<16xf32> to vector<16xf32>
      %swap3A_985 = vector.shape_cast %add3A_981 : vector<16xf32> to vector<16xf32>
      tpu.vector_store %arg8[%swap3A_982], %swap3A_985 {strides = array<i32>} : memref<16xf32, #tpu.memory_space<vmem>>, vector<16xf32>,
      %get3A_986 = arith.constant 656 : index
      %get3A_987 = tpu.vector_load %arg6[%get3A_986] {strides = array<i32>} : memref<1024xf32, #tpu.memory_space<vmem>>, vector<16xf32>,
      %get3A_988 = vector.shape_cast %get3A_987 : vector<16xf32> to vector<16xf32>
      %get3A_989 = arith.constant 0 : index
      %get3A_990 = tpu.vector_load %arg8[%get3A_989] {strides = array<i32>} : memref<16xf32, #tpu.memory_space<vmem>>, vector<16xf32>,
      %get3A_991 = vector.shape_cast %get3A_990 : vector<16xf32> to vector<16xf32>
      %mul3A_992 = arith.mulf %get3A_988, %get3A_988 : vector<16xf32>
      %add3A_993 = arith.addf %get3A_991, %mul3A_992 : vector<16xf32>
      %swap3A_994 = arith.constant 0 : index
      %swap3A_995 = tpu.vector_load %arg8[%swap3A_994] {strides = array<i32>} : memref<16xf32, #tpu.memory_space<vmem>>, vector<16xf32>,
      %swap3A_996 = vector.shape_cast %swap3A_995 : vector<16xf32> to vector<16xf32>
      %swap3A_997 = vector.shape_cast %add3A_993 : vector<16xf32> to vector<16xf32>
      tpu.vector_store %arg8[%swap3A_994], %swap3A_997 {strides = array<i32>} : memref<16xf32, #tpu.memory_space<vmem>>, vector<16xf32>,
      %get3A_998 = arith.constant 672 : index
      %get3A_999 = tpu.vector_load %arg6[%get3A_998] {strides = array<i32>} : memref<1024xf32, #tpu.memory_space<vmem>>, vector<16xf32>,
      %get3A_1000 = vector.shape_cast %get3A_999 : vector<16xf32> to vector<16xf32>
      %get3A_1001 = arith.constant 0 : index
      %get3A_1002 = tpu.vector_load %arg8[%get3A_1001] {strides = array<i32>} : memref<16xf32, #tpu.memory_space<vmem>>, vector<16xf32>,
      %get3A_1003 = vector.shape_cast %get3A_1002 : vector<16xf32> to vector<16xf32>
      %mul3A_1004 = arith.mulf %get3A_1000, %get3A_1000 : vector<16xf32>
      %add3A_1005 = arith.addf %get3A_1003, %mul3A_1004 : vector<16xf32>
      %swap3A_1006 = arith.constant 0 : index
      %swap3A_1007 = tpu.vector_load %arg8[%swap3A_1006] {strides = array<i32>} : memref<16xf32, #tpu.memory_space<vmem>>, vector<16xf32>,
      %swap3A_1008 = vector.shape_cast %swap3A_1007 : vector<16xf32> to vector<16xf32>
      %swap3A_1009 = vector.shape_cast %add3A_1005 : vector<16xf32> to vector<16xf32>
      tpu.vector_store %arg8[%swap3A_1006], %swap3A_1009 {strides = array<i32>} : memref<16xf32, #tpu.memory_space<vmem>>, vector<16xf32>,
      %get3A_1010 = arith.constant 688 : index
      %get3A_1011 = tpu.vector_load %arg6[%get3A_1010] {strides = array<i32>} : memref<1024xf32, #tpu.memory_space<vmem>>, vector<16xf32>,
      %get3A_1012 = vector.shape_cast %get3A_1011 : vector<16xf32> to vector<16xf32>
      %get3A_1013 = arith.constant 0 : index
      %get3A_1014 = tpu.vector_load %arg8[%get3A_1013] {strides = array<i32>} : memref<16xf32, #tpu.memory_space<vmem>>, vector<16xf32>,
      %get3A_1015 = vector.shape_cast %get3A_1014 : vector<16xf32> to vector<16xf32>
      %mul3A_1016 = arith.mulf %get3A_1012, %get3A_1012 : vector<16xf32>
      %add3A_1017 = arith.addf %get3A_1015, %mul3A_1016 : vector<16xf32>
      %swap3A_1018 = arith.constant 0 : index
      %swap3A_1019 = tpu.vector_load %arg8[%swap3A_1018] {strides = array<i32>} : memref<16xf32, #tpu.memory_space<vmem>>, vector<16xf32>,
      %swap3A_1020 = vector.shape_cast %swap3A_1019 : vector<16xf32> to vector<16xf32>
      %swap3A_1021 = vector.shape_cast %add3A_1017 : vector<16xf32> to vector<16xf32>
      tpu.vector_store %arg8[%swap3A_1018], %swap3A_1021 {strides = array<i32>} : memref<16xf32, #tpu.memory_space<vmem>>, vector<16xf32>,
      %get3A_1022 = arith.constant 704 : index
      %get3A_1023 = tpu.vector_load %arg6[%get3A_1022] {strides = array<i32>} : memref<1024xf32, #tpu.memory_space<vmem>>, vector<16xf32>,
      %get3A_1024 = vector.shape_cast %get3A_1023 : vector<16xf32> to vector<16xf32>
      %get3A_1025 = arith.constant 0 : index
      %get3A_1026 = tpu.vector_load %arg8[%get3A_1025] {strides = array<i32>} : memref<16xf32, #tpu.memory_space<vmem>>, vector<16xf32>,
      %get3A_1027 = vector.shape_cast %get3A_1026 : vector<16xf32> to vector<16xf32>
      %mul3A_1028 = arith.mulf %get3A_1024, %get3A_1024 : vector<16xf32>
      %add3A_1029 = arith.addf %get3A_1027, %mul3A_1028 : vector<16xf32>
      %swap3A_1030 = arith.constant 0 : index
      %swap3A_1031 = tpu.vector_load %arg8[%swap3A_1030] {strides = array<i32>} : memref<16xf32, #tpu.memory_space<vmem>>, vector<16xf32>,
      %swap3A_1032 = vector.shape_cast %swap3A_1031 : vector<16xf32> to vector<16xf32>
      %swap3A_1033 = vector.shape_cast %add3A_1029 : vector<16xf32> to vector<16xf32>
      tpu.vector_store %arg8[%swap3A_1030], %swap3A_1033 {strides = array<i32>} : memref<16xf32, #tpu.memory_space<vmem>>, vector<16xf32>,
      %get3A_1034 = arith.constant 720 : index
      %get3A_1035 = tpu.vector_load %arg6[%get3A_1034] {strides = array<i32>} : memref<1024xf32, #tpu.memory_space<vmem>>, vector<16xf32>,
      %get3A_1036 = vector.shape_cast %get3A_1035 : vector<16xf32> to vector<16xf32>
      %get3A_1037 = arith.constant 0 : index
      %get3A_1038 = tpu.vector_load %arg8[%get3A_1037] {strides = array<i32>} : memref<16xf32, #tpu.memory_space<vmem>>, vector<16xf32>,
      %get3A_1039 = vector.shape_cast %get3A_1038 : vector<16xf32> to vector<16xf32>
      %mul3A_1040 = arith.mulf %get3A_1036, %get3A_1036 : vector<16xf32>
      %add3A_1041 = arith.addf %get3A_1039, %mul3A_1040 : vector<16xf32>
      %swap3A_1042 = arith.constant 0 : index
      %swap3A_1043 = tpu.vector_load %arg8[%swap3A_1042] {strides = array<i32>} : memref<16xf32, #tpu.memory_space<vmem>>, vector<16xf32>,
      %swap3A_1044 = vector.shape_cast %swap3A_1043 : vector<16xf32> to vector<16xf32>
      %swap3A_1045 = vector.shape_cast %add3A_1041 : vector<16xf32> to vector<16xf32>
      tpu.vector_store %arg8[%swap3A_1042], %swap3A_1045 {strides = array<i32>} : memref<16xf32, #tpu.memory_space<vmem>>, vector<16xf32>,
      %get3A_1046 = arith.constant 736 : index
      %get3A_1047 = tpu.vector_load %arg6[%get3A_1046] {strides = array<i32>} : memref<1024xf32, #tpu.memory_space<vmem>>, vector<16xf32>,
      %get3A_1048 = vector.shape_cast %get3A_1047 : vector<16xf32> to vector<16xf32>
      %get3A_1049 = arith.constant 0 : index
      %get3A_1050 = tpu.vector_load %arg8[%get3A_1049] {strides = array<i32>} : memref<16xf32, #tpu.memory_space<vmem>>, vector<16xf32>,
      %get3A_1051 = vector.shape_cast %get3A_1050 : vector<16xf32> to vector<16xf32>
      %mul3A_1052 = arith.mulf %get3A_1048, %get3A_1048 : vector<16xf32>
      %add3A_1053 = arith.addf %get3A_1051, %mul3A_1052 : vector<16xf32>
      %swap3A_1054 = arith.constant 0 : index
      %swap3A_1055 = tpu.vector_load %arg8[%swap3A_1054] {strides = array<i32>} : memref<16xf32, #tpu.memory_space<vmem>>, vector<16xf32>,
      %swap3A_1056 = vector.shape_cast %swap3A_1055 : vector<16xf32> to vector<16xf32>
      %swap3A_1057 = vector.shape_cast %add3A_1053 : vector<16xf32> to vector<16xf32>
      tpu.vector_store %arg8[%swap3A_1054], %swap3A_1057 {strides = array<i32>} : memref<16xf32, #tpu.memory_space<vmem>>, vector<16xf32>,
      %get3A_1058 = arith.constant 752 : index
      %get3A_1059 = tpu.vector_load %arg6[%get3A_1058] {strides = array<i32>} : memref<1024xf32, #tpu.memory_space<vmem>>, vector<16xf32>,
      %get3A_1060 = vector.shape_cast %get3A_1059 : vector<16xf32> to vector<16xf32>
      %get3A_1061 = arith.constant 0 : index
      %get3A_1062 = tpu.vector_load %arg8[%get3A_1061] {strides = array<i32>} : memref<16xf32, #tpu.memory_space<vmem>>, vector<16xf32>,
      %get3A_1063 = vector.shape_cast %get3A_1062 : vector<16xf32> to vector<16xf32>
      %mul3A_1064 = arith.mulf %get3A_1060, %get3A_1060 : vector<16xf32>
      %add3A_1065 = arith.addf %get3A_1063, %mul3A_1064 : vector<16xf32>
      %swap3A_1066 = arith.constant 0 : index
      %swap3A_1067 = tpu.vector_load %arg8[%swap3A_1066] {strides = array<i32>} : memref<16xf32, #tpu.memory_space<vmem>>, vector<16xf32>,
      %swap3A_1068 = vector.shape_cast %swap3A_1067 : vector<16xf32> to vector<16xf32>
      %swap3A_1069 = vector.shape_cast %add3A_1065 : vector<16xf32> to vector<16xf32>
      tpu.vector_store %arg8[%swap3A_1066], %swap3A_1069 {strides = array<i32>} : memref<16xf32, #tpu.memory_space<vmem>>, vector<16xf32>,
      %get3A_1070 = arith.constant 768 : index
      %get3A_1071 = tpu.vector_load %arg6[%get3A_1070] {strides = array<i32>} : memref<1024xf32, #tpu.memory_space<vmem>>, vector<16xf32>,
      %get3A_1072 = vector.shape_cast %get3A_1071 : vector<16xf32> to vector<16xf32>
      %get3A_1073 = arith.constant 0 : index
      %get3A_1074 = tpu.vector_load %arg8[%get3A_1073] {strides = array<i32>} : memref<16xf32, #tpu.memory_space<vmem>>, vector<16xf32>,
      %get3A_1075 = vector.shape_cast %get3A_1074 : vector<16xf32> to vector<16xf32>
      %mul3A_1076 = arith.mulf %get3A_1072, %get3A_1072 : vector<16xf32>
      %add3A_1077 = arith.addf %get3A_1075, %mul3A_1076 : vector<16xf32>
      %swap3A_1078 = arith.constant 0 : index
      %swap3A_1079 = tpu.vector_load %arg8[%swap3A_1078] {strides = array<i32>} : memref<16xf32, #tpu.memory_space<vmem>>, vector<16xf32>,
      %swap3A_1080 = vector.shape_cast %swap3A_1079 : vector<16xf32> to vector<16xf32>
      %swap3A_1081 = vector.shape_cast %add3A_1077 : vector<16xf32> to vector<16xf32>
      tpu.vector_store %arg8[%swap3A_1078], %swap3A_1081 {strides = array<i32>} : memref<16xf32, #tpu.memory_space<vmem>>, vector<16xf32>,
      %get3A_1082 = arith.constant 784 : index
      %get3A_1083 = tpu.vector_load %arg6[%get3A_1082] {strides = array<i32>} : memref<1024xf32, #tpu.memory_space<vmem>>, vector<16xf32>,
      %get3A_1084 = vector.shape_cast %get3A_1083 : vector<16xf32> to vector<16xf32>
      %get3A_1085 = arith.constant 0 : index
      %get3A_1086 = tpu.vector_load %arg8[%get3A_1085] {strides = array<i32>} : memref<16xf32, #tpu.memory_space<vmem>>, vector<16xf32>,
      %get3A_1087 = vector.shape_cast %get3A_1086 : vector<16xf32> to vector<16xf32>
      %mul3A_1088 = arith.mulf %get3A_1084, %get3A_1084 : vector<16xf32>
      %add3A_1089 = arith.addf %get3A_1087, %mul3A_1088 : vector<16xf32>
      %swap3A_1090 = arith.constant 0 : index
      %swap3A_1091 = tpu.vector_load %arg8[%swap3A_1090] {strides = array<i32>} : memref<16xf32, #tpu.memory_space<vmem>>, vector<16xf32>,
      %swap3A_1092 = vector.shape_cast %swap3A_1091 : vector<16xf32> to vector<16xf32>
      %swap3A_1093 = vector.shape_cast %add3A_1089 : vector<16xf32> to vector<16xf32>
      tpu.vector_store %arg8[%swap3A_1090], %swap3A_1093 {strides = array<i32>} : memref<16xf32, #tpu.memory_space<vmem>>, vector<16xf32>,
      %get3A_1094 = arith.constant 800 : index
      %get3A_1095 = tpu.vector_load %arg6[%get3A_1094] {strides = array<i32>} : memref<1024xf32, #tpu.memory_space<vmem>>, vector<16xf32>,
      %get3A_1096 = vector.shape_cast %get3A_1095 : vector<16xf32> to vector<16xf32>
      %get3A_1097 = arith.constant 0 : index
      %get3A_1098 = tpu.vector_load %arg8[%get3A_1097] {strides = array<i32>} : memref<16xf32, #tpu.memory_space<vmem>>, vector<16xf32>,
      %get3A_1099 = vector.shape_cast %get3A_1098 : vector<16xf32> to vector<16xf32>
      %mul3A_1100 = arith.mulf %get3A_1096, %get3A_1096 : vector<16xf32>
      %add3A_1101 = arith.addf %get3A_1099, %mul3A_1100 : vector<16xf32>
      %swap3A_1102 = arith.constant 0 : index
      %swap3A_1103 = tpu.vector_load %arg8[%swap3A_1102] {strides = array<i32>} : memref<16xf32, #tpu.memory_space<vmem>>, vector<16xf32>,
      %swap3A_1104 = vector.shape_cast %swap3A_1103 : vector<16xf32> to vector<16xf32>
      %swap3A_1105 = vector.shape_cast %add3A_1101 : vector<16xf32> to vector<16xf32>
      tpu.vector_store %arg8[%swap3A_1102], %swap3A_1105 {strides = array<i32>} : memref<16xf32, #tpu.memory_space<vmem>>, vector<16xf32>,
      %get3A_1106 = arith.constant 816 : index
      %get3A_1107 = tpu.vector_load %arg6[%get3A_1106] {strides = array<i32>} : memref<1024xf32, #tpu.memory_space<vmem>>, vector<16xf32>,
      %get3A_1108 = vector.shape_cast %get3A_1107 : vector<16xf32> to vector<16xf32>
      %get3A_1109 = arith.constant 0 : index
      %get3A_1110 = tpu.vector_load %arg8[%get3A_1109] {strides = array<i32>} : memref<16xf32, #tpu.memory_space<vmem>>, vector<16xf32>,
      %get3A_1111 = vector.shape_cast %get3A_1110 : vector<16xf32> to vector<16xf32>
      %mul3A_1112 = arith.mulf %get3A_1108, %get3A_1108 : vector<16xf32>
      %add3A_1113 = arith.addf %get3A_1111, %mul3A_1112 : vector<16xf32>
      %swap3A_1114 = arith.constant 0 : index
      %swap3A_1115 = tpu.vector_load %arg8[%swap3A_1114] {strides = array<i32>} : memref<16xf32, #tpu.memory_space<vmem>>, vector<16xf32>,
      %swap3A_1116 = vector.shape_cast %swap3A_1115 : vector<16xf32> to vector<16xf32>
      %swap3A_1117 = vector.shape_cast %add3A_1113 : vector<16xf32> to vector<16xf32>
      tpu.vector_store %arg8[%swap3A_1114], %swap3A_1117 {strides = array<i32>} : memref<16xf32, #tpu.memory_space<vmem>>, vector<16xf32>,
      %get3A_1118 = arith.constant 832 : index
      %get3A_1119 = tpu.vector_load %arg6[%get3A_1118] {strides = array<i32>} : memref<1024xf32, #tpu.memory_space<vmem>>, vector<16xf32>,
      %get3A_1120 = vector.shape_cast %get3A_1119 : vector<16xf32> to vector<16xf32>
      %get3A_1121 = arith.constant 0 : index
      %get3A_1122 = tpu.vector_load %arg8[%get3A_1121] {strides = array<i32>} : memref<16xf32, #tpu.memory_space<vmem>>, vector<16xf32>,
      %get3A_1123 = vector.shape_cast %get3A_1122 : vector<16xf32> to vector<16xf32>
      %mul3A_1124 = arith.mulf %get3A_1120, %get3A_1120 : vector<16xf32>
      %add3A_1125 = arith.addf %get3A_1123, %mul3A_1124 : vector<16xf32>
      %swap3A_1126 = arith.constant 0 : index
      %swap3A_1127 = tpu.vector_load %arg8[%swap3A_1126] {strides = array<i32>} : memref<16xf32, #tpu.memory_space<vmem>>, vector<16xf32>,
      %swap3A_1128 = vector.shape_cast %swap3A_1127 : vector<16xf32> to vector<16xf32>
      %swap3A_1129 = vector.shape_cast %add3A_1125 : vector<16xf32> to vector<16xf32>
      tpu.vector_store %arg8[%swap3A_1126], %swap3A_1129 {strides = array<i32>} : memref<16xf32, #tpu.memory_space<vmem>>, vector<16xf32>,
      %get3A_1130 = arith.constant 848 : index
      %get3A_1131 = tpu.vector_load %arg6[%get3A_1130] {strides = array<i32>} : memref<1024xf32, #tpu.memory_space<vmem>>, vector<16xf32>,
      %get3A_1132 = vector.shape_cast %get3A_1131 : vector<16xf32> to vector<16xf32>
      %get3A_1133 = arith.constant 0 : index
      %get3A_1134 = tpu.vector_load %arg8[%get3A_1133] {strides = array<i32>} : memref<16xf32, #tpu.memory_space<vmem>>, vector<16xf32>,
      %get3A_1135 = vector.shape_cast %get3A_1134 : vector<16xf32> to vector<16xf32>
      %mul3A_1136 = arith.mulf %get3A_1132, %get3A_1132 : vector<16xf32>
      %add3A_1137 = arith.addf %get3A_1135, %mul3A_1136 : vector<16xf32>
      %swap3A_1138 = arith.constant 0 : index
      %swap3A_1139 = tpu.vector_load %arg8[%swap3A_1138] {strides = array<i32>} : memref<16xf32, #tpu.memory_space<vmem>>, vector<16xf32>,
      %swap3A_1140 = vector.shape_cast %swap3A_1139 : vector<16xf32> to vector<16xf32>
      %swap3A_1141 = vector.shape_cast %add3A_1137 : vector<16xf32> to vector<16xf32>
      tpu.vector_store %arg8[%swap3A_1138], %swap3A_1141 {strides = array<i32>} : memref<16xf32, #tpu.memory_space<vmem>>, vector<16xf32>,
      %get3A_1142 = arith.constant 864 : index
      %get3A_1143 = tpu.vector_load %arg6[%get3A_1142] {strides = array<i32>} : memref<1024xf32, #tpu.memory_space<vmem>>, vector<16xf32>,
      %get3A_1144 = vector.shape_cast %get3A_1143 : vector<16xf32> to vector<16xf32>
      %get3A_1145 = arith.constant 0 : index
      %get3A_1146 = tpu.vector_load %arg8[%get3A_1145] {strides = array<i32>} : memref<16xf32, #tpu.memory_space<vmem>>, vector<16xf32>,
      %get3A_1147 = vector.shape_cast %get3A_1146 : vector<16xf32> to vector<16xf32>
      %mul3A_1148 = arith.mulf %get3A_1144, %get3A_1144 : vector<16xf32>
      %add3A_1149 = arith.addf %get3A_1147, %mul3A_1148 : vector<16xf32>
      %swap3A_1150 = arith.constant 0 : index
      %swap3A_1151 = tpu.vector_load %arg8[%swap3A_1150] {strides = array<i32>} : memref<16xf32, #tpu.memory_space<vmem>>, vector<16xf32>,
      %swap3A_1152 = vector.shape_cast %swap3A_1151 : vector<16xf32> to vector<16xf32>
      %swap3A_1153 = vector.shape_cast %add3A_1149 : vector<16xf32> to vector<16xf32>
      tpu.vector_store %arg8[%swap3A_1150], %swap3A_1153 {strides = array<i32>} : memref<16xf32, #tpu.memory_space<vmem>>, vector<16xf32>,
      %get3A_1154 = arith.constant 880 : index
      %get3A_1155 = tpu.vector_load %arg6[%get3A_1154] {strides = array<i32>} : memref<1024xf32, #tpu.memory_space<vmem>>, vector<16xf32>,
      %get3A_1156 = vector.shape_cast %get3A_1155 : vector<16xf32> to vector<16xf32>
      %get3A_1157 = arith.constant 0 : index
      %get3A_1158 = tpu.vector_load %arg8[%get3A_1157] {strides = array<i32>} : memref<16xf32, #tpu.memory_space<vmem>>, vector<16xf32>,
      %get3A_1159 = vector.shape_cast %get3A_1158 : vector<16xf32> to vector<16xf32>
      %mul3A_1160 = arith.mulf %get3A_1156, %get3A_1156 : vector<16xf32>
      %add3A_1161 = arith.addf %get3A_1159, %mul3A_1160 : vector<16xf32>
      %swap3A_1162 = arith.constant 0 : index
      %swap3A_1163 = tpu.vector_load %arg8[%swap3A_1162] {strides = array<i32>} : memref<16xf32, #tpu.memory_space<vmem>>, vector<16xf32>,
      %swap3A_1164 = vector.shape_cast %swap3A_1163 : vector<16xf32> to vector<16xf32>
      %swap3A_1165 = vector.shape_cast %add3A_1161 : vector<16xf32> to vector<16xf32>
      tpu.vector_store %arg8[%swap3A_1162], %swap3A_1165 {strides = array<i32>} : memref<16xf32, #tpu.memory_space<vmem>>, vector<16xf32>,
      %get3A_1166 = arith.constant 896 : index
      %get3A_1167 = tpu.vector_load %arg6[%get3A_1166] {strides = array<i32>} : memref<1024xf32, #tpu.memory_space<vmem>>, vector<16xf32>,
      %get3A_1168 = vector.shape_cast %get3A_1167 : vector<16xf32> to vector<16xf32>
      %get3A_1169 = arith.constant 0 : index
      %get3A_1170 = tpu.vector_load %arg8[%get3A_1169] {strides = array<i32>} : memref<16xf32, #tpu.memory_space<vmem>>, vector<16xf32>,
      %get3A_1171 = vector.shape_cast %get3A_1170 : vector<16xf32> to vector<16xf32>
      %mul3A_1172 = arith.mulf %get3A_1168, %get3A_1168 : vector<16xf32>
      %add3A_1173 = arith.addf %get3A_1171, %mul3A_1172 : vector<16xf32>
      %swap3A_1174 = arith.constant 0 : index
      %swap3A_1175 = tpu.vector_load %arg8[%swap3A_1174] {strides = array<i32>} : memref<16xf32, #tpu.memory_space<vmem>>, vector<16xf32>,
      %swap3A_1176 = vector.shape_cast %swap3A_1175 : vector<16xf32> to vector<16xf32>
      %swap3A_1177 = vector.shape_cast %add3A_1173 : vector<16xf32> to vector<16xf32>
      tpu.vector_store %arg8[%swap3A_1174], %swap3A_1177 {strides = array<i32>} : memref<16xf32, #tpu.memory_space<vmem>>, vector<16xf32>,
      %get3A_1178 = arith.constant 912 : index
      %get3A_1179 = tpu.vector_load %arg6[%get3A_1178] {strides = array<i32>} : memref<1024xf32, #tpu.memory_space<vmem>>, vector<16xf32>,
      %get3A_1180 = vector.shape_cast %get3A_1179 : vector<16xf32> to vector<16xf32>
      %get3A_1181 = arith.constant 0 : index
      %get3A_1182 = tpu.vector_load %arg8[%get3A_1181] {strides = array<i32>} : memref<16xf32, #tpu.memory_space<vmem>>, vector<16xf32>,
      %get3A_1183 = vector.shape_cast %get3A_1182 : vector<16xf32> to vector<16xf32>
      %mul3A_1184 = arith.mulf %get3A_1180, %get3A_1180 : vector<16xf32>
      %add3A_1185 = arith.addf %get3A_1183, %mul3A_1184 : vector<16xf32>
      %swap3A_1186 = arith.constant 0 : index
      %swap3A_1187 = tpu.vector_load %arg8[%swap3A_1186] {strides = array<i32>} : memref<16xf32, #tpu.memory_space<vmem>>, vector<16xf32>,
      %swap3A_1188 = vector.shape_cast %swap3A_1187 : vector<16xf32> to vector<16xf32>
      %swap3A_1189 = vector.shape_cast %add3A_1185 : vector<16xf32> to vector<16xf32>
      tpu.vector_store %arg8[%swap3A_1186], %swap3A_1189 {strides = array<i32>} : memref<16xf32, #tpu.memory_space<vmem>>, vector<16xf32>,
      %get3A_1190 = arith.constant 928 : index
      %get3A_1191 = tpu.vector_load %arg6[%get3A_1190] {strides = array<i32>} : memref<1024xf32, #tpu.memory_space<vmem>>, vector<16xf32>,
      %get3A_1192 = vector.shape_cast %get3A_1191 : vector<16xf32> to vector<16xf32>
      %get3A_1193 = arith.constant 0 : index
      %get3A_1194 = tpu.vector_load %arg8[%get3A_1193] {strides = array<i32>} : memref<16xf32, #tpu.memory_space<vmem>>, vector<16xf32>,
      %get3A_1195 = vector.shape_cast %get3A_1194 : vector<16xf32> to vector<16xf32>
      %mul3A_1196 = arith.mulf %get3A_1192, %get3A_1192 : vector<16xf32>
      %add3A_1197 = arith.addf %get3A_1195, %mul3A_1196 : vector<16xf32>
      %swap3A_1198 = arith.constant 0 : index
      %swap3A_1199 = tpu.vector_load %arg8[%swap3A_1198] {strides = array<i32>} : memref<16xf32, #tpu.memory_space<vmem>>, vector<16xf32>,
      %swap3A_1200 = vector.shape_cast %swap3A_1199 : vector<16xf32> to vector<16xf32>
      %swap3A_1201 = vector.shape_cast %add3A_1197 : vector<16xf32> to vector<16xf32>
      tpu.vector_store %arg8[%swap3A_1198], %swap3A_1201 {strides = array<i32>} : memref<16xf32, #tpu.memory_space<vmem>>, vector<16xf32>,
      %get3A_1202 = arith.constant 944 : index
      %get3A_1203 = tpu.vector_load %arg6[%get3A_1202] {strides = array<i32>} : memref<1024xf32, #tpu.memory_space<vmem>>, vector<16xf32>,
      %get3A_1204 = vector.shape_cast %get3A_1203 : vector<16xf32> to vector<16xf32>
      %get3A_1205 = arith.constant 0 : index
      %get3A_1206 = tpu.vector_load %arg8[%get3A_1205] {strides = array<i32>} : memref<16xf32, #tpu.memory_space<vmem>>, vector<16xf32>,
      %get3A_1207 = vector.shape_cast %get3A_1206 : vector<16xf32> to vector<16xf32>
      %mul3A_1208 = arith.mulf %get3A_1204, %get3A_1204 : vector<16xf32>
      %add3A_1209 = arith.addf %get3A_1207, %mul3A_1208 : vector<16xf32>
      %swap3A_1210 = arith.constant 0 : index
      %swap3A_1211 = tpu.vector_load %arg8[%swap3A_1210] {strides = array<i32>} : memref<16xf32, #tpu.memory_space<vmem>>, vector<16xf32>,
      %swap3A_1212 = vector.shape_cast %swap3A_1211 : vector<16xf32> to vector<16xf32>
      %swap3A_1213 = vector.shape_cast %add3A_1209 : vector<16xf32> to vector<16xf32>
      tpu.vector_store %arg8[%swap3A_1210], %swap3A_1213 {strides = array<i32>} : memref<16xf32, #tpu.memory_space<vmem>>, vector<16xf32>,
      %get3A_1214 = arith.constant 960 : index
      %get3A_1215 = tpu.vector_load %arg6[%get3A_1214] {strides = array<i32>} : memref<1024xf32, #tpu.memory_space<vmem>>, vector<16xf32>,
      %get3A_1216 = vector.shape_cast %get3A_1215 : vector<16xf32> to vector<16xf32>
      %get3A_1217 = arith.constant 0 : index
      %get3A_1218 = tpu.vector_load %arg8[%get3A_1217] {strides = array<i32>} : memref<16xf32, #tpu.memory_space<vmem>>, vector<16xf32>,
      %get3A_1219 = vector.shape_cast %get3A_1218 : vector<16xf32> to vector<16xf32>
      %mul3A_1220 = arith.mulf %get3A_1216, %get3A_1216 : vector<16xf32>
      %add3A_1221 = arith.addf %get3A_1219, %mul3A_1220 : vector<16xf32>
      %swap3A_1222 = arith.constant 0 : index
      %swap3A_1223 = tpu.vector_load %arg8[%swap3A_1222] {strides = array<i32>} : memref<16xf32, #tpu.memory_space<vmem>>, vector<16xf32>,
      %swap3A_1224 = vector.shape_cast %swap3A_1223 : vector<16xf32> to vector<16xf32>
      %swap3A_1225 = vector.shape_cast %add3A_1221 : vector<16xf32> to vector<16xf32>
      tpu.vector_store %arg8[%swap3A_1222], %swap3A_1225 {strides = array<i32>} : memref<16xf32, #tpu.memory_space<vmem>>, vector<16xf32>,
      %get3A_1226 = arith.constant 976 : index
      %get3A_1227 = tpu.vector_load %arg6[%get3A_1226] {strides = array<i32>} : memref<1024xf32, #tpu.memory_space<vmem>>, vector<16xf32>,
      %get3A_1228 = vector.shape_cast %get3A_1227 : vector<16xf32> to vector<16xf32>
      %get3A_1229 = arith.constant 0 : index
      %get3A_1230 = tpu.vector_load %arg8[%get3A_1229] {strides = array<i32>} : memref<16xf32, #tpu.memory_space<vmem>>, vector<16xf32>,
      %get3A_1231 = vector.shape_cast %get3A_1230 : vector<16xf32> to vector<16xf32>
      %mul3A_1232 = arith.mulf %get3A_1228, %get3A_1228 : vector<16xf32>
      %add3A_1233 = arith.addf %get3A_1231, %mul3A_1232 : vector<16xf32>
      %swap3A_1234 = arith.constant 0 : index
      %swap3A_1235 = tpu.vector_load %arg8[%swap3A_1234] {strides = array<i32>} : memref<16xf32, #tpu.memory_space<vmem>>, vector<16xf32>,
      %swap3A_1236 = vector.shape_cast %swap3A_1235 : vector<16xf32> to vector<16xf32>
      %swap3A_1237 = vector.shape_cast %add3A_1233 : vector<16xf32> to vector<16xf32>
      tpu.vector_store %arg8[%swap3A_1234], %swap3A_1237 {strides = array<i32>} : memref<16xf32, #tpu.memory_space<vmem>>, vector<16xf32>,
      %get3A_1238 = arith.constant 992 : index
      %get3A_1239 = tpu.vector_load %arg6[%get3A_1238] {strides = array<i32>} : memref<1024xf32, #tpu.memory_space<vmem>>, vector<16xf32>,
      %get3A_1240 = vector.shape_cast %get3A_1239 : vector<16xf32> to vector<16xf32>
      %get3A_1241 = arith.constant 0 : index
      %get3A_1242 = tpu.vector_load %arg8[%get3A_1241] {strides = array<i32>} : memref<16xf32, #tpu.memory_space<vmem>>, vector<16xf32>,
      %get3A_1243 = vector.shape_cast %get3A_1242 : vector<16xf32> to vector<16xf32>
      %mul3A_1244 = arith.mulf %get3A_1240, %get3A_1240 : vector<16xf32>
      %add3A_1245 = arith.addf %get3A_1243, %mul3A_1244 : vector<16xf32>
      %swap3A_1246 = arith.constant 0 : index
      %swap3A_1247 = tpu.vector_load %arg8[%swap3A_1246] {strides = array<i32>} : memref<16xf32, #tpu.memory_space<vmem>>, vector<16xf32>,
      %swap3A_1248 = vector.shape_cast %swap3A_1247 : vector<16xf32> to vector<16xf32>
      %swap3A_1249 = vector.shape_cast %add3A_1245 : vector<16xf32> to vector<16xf32>
      tpu.vector_store %arg8[%swap3A_1246], %swap3A_1249 {strides = array<i32>} : memref<16xf32, #tpu.memory_space<vmem>>, vector<16xf32>,
      %get3A_1250 = arith.constant 1008 : index
      %get3A_1251 = tpu.vector_load %arg6[%get3A_1250] {strides = array<i32>} : memref<1024xf32, #tpu.memory_space<vmem>>, vector<16xf32>,
      %get3A_1252 = vector.shape_cast %get3A_1251 : vector<16xf32> to vector<16xf32>
      %get3A_1253 = arith.constant 0 : index
      %get3A_1254 = tpu.vector_load %arg8[%get3A_1253] {strides = array<i32>} : memref<16xf32, #tpu.memory_space<vmem>>, vector<16xf32>,
      %get3A_1255 = vector.shape_cast %get3A_1254 : vector<16xf32> to vector<16xf32>
      %mul3A_1256 = arith.mulf %get3A_1252, %get3A_1252 : vector<16xf32>
      %add3A_1257 = arith.addf %get3A_1255, %mul3A_1256 : vector<16xf32>
      %swap3A_1258 = arith.constant 0 : index
      %swap3A_1259 = tpu.vector_load %arg8[%swap3A_1258] {strides = array<i32>} : memref<16xf32, #tpu.memory_space<vmem>>, vector<16xf32>,
      %swap3A_1260 = vector.shape_cast %swap3A_1259 : vector<16xf32> to vector<16xf32>
      %swap3A_1261 = vector.shape_cast %add3A_1257 : vector<16xf32> to vector<16xf32>
      tpu.vector_store %arg8[%swap3A_1258], %swap3A_1261 {strides = array<i32>} : memref<16xf32, #tpu.memory_space<vmem>>, vector<16xf32>,
      "tpu.region"() ({
        %run_scoped3A = tpu.sem_alloc : memref<!tpu.dma_semaphore, #tpu.memory_space<semaphore_mem>>
        tpu.enqueue_dma source(%arg8 : memref<16xf32, #tpu.memory_space<vmem>>) target(%arg3 : memref<16xf32, #tpu.memory_space<hbm>>) target_semaphore(%run_scoped3A : memref<!tpu.dma_semaphore, #tpu.memory_space<semaphore_mem>>)
        tpu.wait_dma2 semaphore(%run_scoped3A : memref<!tpu.dma_semaphore, #tpu.memory_space<semaphore_mem>>) src(%arg8 : memref<16xf32, #tpu.memory_space<vmem>>) dst(%arg3 : memref<16xf32, #tpu.memory_space<hbm>>)
        tpu.yield
      }) : () -> ()
    } else {
    }
    return
  }
}

module attributes {stable_mosaic.version = 14 : i64} {
  func.func @_loss_body(%arg0: i32, %arg1: memref<1024x128xf32, #tpu.memory_space<vmem>>, %arg2: memref<1024x128xf32, #tpu.memory_space<vmem>>, %arg3: memref<1024x1xi32, #tpu.memory_space<vmem>>, %arg4: memref<1x1024xi32, #tpu.memory_space<vmem>>, %arg5: memref<4xf32, #tpu.memory_space<smem>>, %arg6: memref<8x1024xf32, #tpu.memory_space<vmem>>) attributes {dimension_semantics = [#tpu.dimension_semantics<arbitrary>], iteration_bounds = array<i64: 10>, scalar_prefetch = 0 : i64, scratch_operands = 1 : i64, tpu.core_type = #tpu.core_type<tc>, window_params = [{transform_indices = @transform_0, window_bounds = array<i64: 1024, 128>}, {transform_indices = @transform_1, window_bounds = array<i64: 1024, 128>}, {transform_indices = @transform_2, window_bounds = array<i64: 1024, 1>}, {transform_indices = @transform_3, window_bounds = array<i64: 1, 1024>}, {transform_indices = @transform_4, window_bounds = array<i64: 4>}]} {
    %ge3A = arith.constant 4 : i32
    %ge3A_0 = arith.cmpi sge, %arg0, %ge3A : i32
    %convert_element_type3A = arith.extui %ge3A_0 : i1 to i32
    %ge3A_1 = arith.constant 7 : i32
    %ge3A_2 = arith.cmpi sge, %arg0, %ge3A_1 : i32
    %convert_element_type3A_3 = arith.extui %ge3A_2 : i1 to i32
    %add3A = arith.addi %convert_element_type3A, %convert_element_type3A_3 : i32
    %ge3A_4 = arith.constant 9 : i32
    %ge3A_5 = arith.cmpi sge, %arg0, %ge3A_4 : i32
    %convert_element_type3A_6 = arith.extui %ge3A_5 : i1 to i32
    %add3A_7 = arith.addi %add3A, %convert_element_type3A_6 : i32
    %ge3A_8 = arith.constant 4 : i32
    %ge3A_9 = arith.cmpi sge, %arg0, %ge3A_8 : i32
    %convert_element_type3A_10 = arith.extui %ge3A_9 : i1 to i32
    %mul3A = arith.constant 4 : i32
    %mul3A_11 = arith.muli %convert_element_type3A_10, %mul3A : i32
    %ge3A_12 = arith.constant 7 : i32
    %ge3A_13 = arith.cmpi sge, %arg0, %ge3A_12 : i32
    %convert_element_type3A_14 = arith.extui %ge3A_13 : i1 to i32
    %mul3A_15 = arith.constant 3 : i32
    %mul3A_16 = arith.muli %convert_element_type3A_14, %mul3A_15 : i32
    %add3A_17 = arith.addi %mul3A_11, %mul3A_16 : i32
    %ge3A_18 = arith.constant 9 : i32
    %ge3A_19 = arith.cmpi sge, %arg0, %ge3A_18 : i32
    %convert_element_type3A_20 = arith.extui %ge3A_19 : i1 to i32
    %mul3A_21 = arith.constant 2 : i32
    %mul3A_22 = arith.muli %convert_element_type3A_20, %mul3A_21 : i32
    %add3A_23 = arith.addi %add3A_17, %mul3A_22 : i32
    %sub3A = arith.subi %arg0, %add3A_23 : i32
    %add3A_24 = arith.addi %sub3A, %add3A_7 : i32
    %eq3A = arith.constant 0 : i32
    %eq3A_25 = arith.cmpi eq, %arg0, %eq3A : i32
    %convert_element_type3A_26 = arith.extui %eq3A_25 : i1 to i32
    %cond3A = arith.constant 0 : i32
    %cond3A_27 = arith.cmpi ne, %convert_element_type3A_26, %cond3A : i32
    scf.if %cond3A_27 {
      %broadcast_in_dim3A_127 = arith.constant 0.000000e+00 : f32
      %broadcast_in_dim3A_128 = vector.broadcast %broadcast_in_dim3A_127 : f32 to vector<8x1024xf32>
      %swap3A_129 = arith.constant 0 : index
      %swap3A_130 = arith.constant 0 : index
      %swap3A_131 = vector.load %arg6[%swap3A_129, %swap3A_130] : memref<8x1024xf32, #tpu.memory_space<vmem>>, vector<8x1024xf32>
      tpu.vector_store %arg6[%swap3A_129, %swap3A_130], %broadcast_in_dim3A_128 {strides = array<i32>} : memref<8x1024xf32, #tpu.memory_space<vmem>>, vector<8x1024xf32>,
    } else {
    }
    %get3A = arith.constant 0 : index
    %get3A_28 = arith.constant 0 : index
    %get3A_29 = vector.load %arg1[%get3A, %get3A_28] : memref<1024x128xf32, #tpu.memory_space<vmem>>, vector<1024x128xf32>
    %get3A_30 = arith.constant 0 : index
    %get3A_31 = arith.constant 0 : index
    %get3A_32 = vector.load %arg2[%get3A_30, %get3A_31] : memref<1024x128xf32, #tpu.memory_space<vmem>>, vector<1024x128xf32>
    %mul3A_33 = arith.constant -2.000000e+00 : f32
    %mul3A_34 = vector.broadcast %mul3A_33 : f32 to vector<1024x128xf32>
    %mul3A_35 = arith.mulf %get3A_29, %mul3A_34 : vector<1024x128xf32>
    %dot_general3A = arith.constant dense<0.000000e+00> : vector<1024x1024xf32>
    %dot_general3A_36 = tpu.matmul %mul3A_35, %get3A_32, %dot_general3A {dimension_numbers = #tpu.dot_dimension_numbers<[1], [1], [0], [0], [0, 0, 1, 0], [], []>, transpose_lhs_hint = false} : vector<1024x128xf32>, vector<1024x128xf32>, vector<1024x1024xf32> -> vector<1024x1024xf32>
    %mul3A_37 = arith.mulf %get3A_29, %get3A_29 : vector<1024x128xf32>
    %reduce_sum3A = arith.constant dense<0.000000e+00> : vector<1024xf32>
    %reduce_sum3A_38 = vector.multi_reduction <add>, %mul3A_37, %reduce_sum3A [1] : vector<1024x128xf32> to vector<1024xf32>
    %broadcast_in_dim3A = vector.shape_cast %reduce_sum3A_38 : vector<1024xf32> to vector<1024x1xf32>
    %mul3A_39 = arith.mulf %get3A_32, %get3A_32 : vector<1024x128xf32>
    %reduce_sum3A_40 = arith.constant dense<0.000000e+00> : vector<1024xf32>
    %reduce_sum3A_41 = vector.multi_reduction <add>, %mul3A_39, %reduce_sum3A_40 [1] : vector<1024x128xf32> to vector<1024xf32>
    %broadcast_in_dim3A_42 = vector.shape_cast %reduce_sum3A_41 : vector<1024xf32> to vector<1x1024xf32>
    %add3A_43 = vector.broadcast %broadcast_in_dim3A : vector<1024x1xf32> to vector<1024x1024xf32>
    %add3A_44 = vector.broadcast %broadcast_in_dim3A_42 : vector<1x1024xf32> to vector<1024x1024xf32>
    %add3A_45 = arith.addf %add3A_43, %add3A_44 : vector<1024x1024xf32>
    %add3A_46 = arith.addf %add3A_45, %dot_general3A_36 : vector<1024x1024xf32>
    %convert_element_type3A_47 = arith.truncf %add3A_46 : vector<1024x1024xf32> to vector<1024x1024xbf16>
    %gt3A = arith.constant 1.001800e-16 : bf16
    %gt3A_48 = vector.broadcast %gt3A : bf16 to vector<1024x1024xbf16>
    %gt3A_49 = arith.cmpf ogt, %convert_element_type3A_47, %gt3A_48 : vector<1024x1024xbf16>
    %jit3A = arith.constant 1.001800e-16 : bf16
    %broadcast_in_dim3A_50 = vector.broadcast %jit3A : bf16 to vector<1024x1024xbf16>
    %select_n3A = arith.select %gt3A_49, %convert_element_type3A_47, %broadcast_in_dim3A_50 : vector<1024x1024xi1>, vector<1024x1024xbf16>
    %rsqrt3A = math.rsqrt %select_n3A : vector<1024x1024xbf16>
    %mul3A_51 = arith.mulf %select_n3A, %rsqrt3A : vector<1024x1024xbf16>
    %get3A_52 = arith.constant 0 : index
    %get3A_53 = arith.constant 0 : index
    %get3A_54 = vector.load %arg3[%get3A_52, %get3A_53] : memref<1024x1xi32, #tpu.memory_space<vmem>>, vector<1024x1xi32>
    %get3A_55 = arith.constant 0 : index
    %get3A_56 = arith.constant 0 : index
    %get3A_57 = vector.load %arg4[%get3A_55, %get3A_56] : memref<1x1024xi32, #tpu.memory_space<vmem>>, vector<1x1024xi32>
    %eq3A_58 = vector.broadcast %get3A_54 : vector<1024x1xi32> to vector<1024x1024xi32>
    %eq3A_59 = vector.broadcast %get3A_57 : vector<1x1024xi32> to vector<1024x1024xi32>
    %eq3A_60 = arith.cmpi eq, %eq3A_58, %eq3A_59 : vector<1024x1024xi32>
    %jit3A_61 = arith.constant 1.000000e+00 : f32
    %jit3A_62 = arith.constant 0.000000e+00 : f32
    %broadcast_in_dim3A_63 = vector.broadcast %jit3A_61 : f32 to vector<1024x1024xf32>
    %broadcast_in_dim3A_64 = vector.broadcast %jit3A_62 : f32 to vector<1024x1024xf32>
    %select_n3A_65 = arith.select %eq3A_60, %broadcast_in_dim3A_63, %broadcast_in_dim3A_64 : vector<1024x1024xi1>, vector<1024x1024xf32>
    %convert_element_type3A_66 = arith.truncf %select_n3A_65 : vector<1024x1024xf32> to vector<1024x1024xbf16>
    %sub3A_67 = arith.constant 1.000000e+00 : bf16
    %sub3A_68 = vector.broadcast %sub3A_67 : bf16 to vector<1024x1024xbf16>
    %sub3A_69 = arith.subf %sub3A_68, %convert_element_type3A_66 : vector<1024x1024xbf16>
    %sub3A_70 = arith.constant 1.000000e+00 : bf16
    %sub3A_71 = vector.broadcast %sub3A_70 : bf16 to vector<1024x1024xbf16>
    %sub3A_72 = arith.subf %sub3A_71, %mul3A_51 : vector<1024x1024xbf16>
    %gt3A_73 = arith.constant 0.000000e+00 : bf16
    %gt3A_74 = vector.broadcast %gt3A_73 : bf16 to vector<1024x1024xbf16>
    %gt3A_75 = arith.cmpf ogt, %sub3A_72, %gt3A_74 : vector<1024x1024xbf16>
    %mul3A_76 = arith.mulf %sub3A_72, %sub3A_69 : vector<1024x1024xbf16>
    %mul3A_77 = arith.mulf %mul3A_51, %convert_element_type3A_66 : vector<1024x1024xbf16>
    %jit3A_78 = arith.constant 0.000000e+00 : bf16
    %broadcast_in_dim3A_79 = vector.broadcast %jit3A_78 : bf16 to vector<1024x1024xbf16>
    %select_n3A_80 = arith.select %gt3A_75, %mul3A_76, %broadcast_in_dim3A_79 : vector<1024x1024xi1>, vector<1024x1024xbf16>
    %jit3A_81 = arith.constant 0.000000e+00 : bf16
    %broadcast_in_dim3A_82 = vector.broadcast %jit3A_81 : bf16 to vector<1024x1024xbf16>
    %select_n3A_83 = arith.select %gt3A_75, %sub3A_69, %broadcast_in_dim3A_82 : vector<1024x1024xi1>, vector<1024x1024xbf16>
    %broadcast_in_dim3A_84 = arith.constant 1.000000e+00 : bf16
    %broadcast_in_dim3A_85 = vector.broadcast %broadcast_in_dim3A_84 : bf16 to vector<1x1024xbf16>
    %eq3A_86 = arith.cmpi eq, %add3A_7, %add3A_24 : i32
    %jit3A_87 = arith.constant 1.000000e+00 : f32
    %jit3A_88 = arith.constant 2.000000e+00 : f32
    %select_n3A_89 = arith.select %eq3A_86, %jit3A_87, %jit3A_88 : f32
    %get3A_90 = arith.constant 0 : index
    %get3A_91 = arith.constant 0 : index
    %get3A_92 = vector.load %arg6[%get3A_90, %get3A_91] : memref<8x1024xf32, #tpu.memory_space<vmem>>, vector<1x1024xf32>
    %dot_general3A_93 = arith.constant dense<0.000000e+00> : vector<1x1024xf32>
    %dot_general3A_94 = tpu.matmul %broadcast_in_dim3A_85, %mul3A_77, %dot_general3A_93 {dimension_numbers = #tpu.dot_dimension_numbers<[1], [0], [0], [1], [0, 0, 1, 1], [], []>, transpose_lhs_hint = false} : vector<1x1024xbf16>, vector<1024x1024xbf16>, vector<1x1024xf32> -> vector<1x1024xf32>
    %mul3A_95 = vector.broadcast %select_n3A_89 : f32 to vector<1x1024xf32>
    %mul3A_96 = arith.mulf %mul3A_95, %dot_general3A_94 : vector<1x1024xf32>
    %add3A_97 = arith.addf %get3A_92, %mul3A_96 : vector<1x1024xf32>
    %swap3A = arith.constant 0 : index
    %swap3A_98 = arith.constant 0 : index
    %swap3A_99 = vector.load %arg6[%swap3A, %swap3A_98] : memref<8x1024xf32, #tpu.memory_space<vmem>>, vector<1x1024xf32>
    tpu.vector_store %arg6[%swap3A, %swap3A_98], %add3A_97 {strides = array<i32>} : memref<8x1024xf32, #tpu.memory_space<vmem>>, vector<1x1024xf32>,
    %get3A_100 = arith.constant 2 : index
    %get3A_101 = arith.constant 0 : index
    %get3A_102 = vector.load %arg6[%get3A_100, %get3A_101] : memref<8x1024xf32, #tpu.memory_space<vmem>>, vector<1x1024xf32>
    %dot_general3A_103 = arith.constant dense<0.000000e+00> : vector<1x1024xf32>
    %dot_general3A_104 = tpu.matmul %broadcast_in_dim3A_85, %select_n3A_80, %dot_general3A_103 {dimension_numbers = #tpu.dot_dimension_numbers<[1], [0], [0], [1], [0, 0, 1, 1], [], []>, transpose_lhs_hint = false} : vector<1x1024xbf16>, vector<1024x1024xbf16>, vector<1x1024xf32> -> vector<1x1024xf32>
    %mul3A_105 = vector.broadcast %select_n3A_89 : f32 to vector<1x1024xf32>
    %mul3A_106 = arith.mulf %mul3A_105, %dot_general3A_104 : vector<1x1024xf32>
    %add3A_107 = arith.addf %get3A_102, %mul3A_106 : vector<1x1024xf32>
    %swap3A_108 = arith.constant 2 : index
    %swap3A_109 = arith.constant 0 : index
    %swap3A_110 = vector.load %arg6[%swap3A_108, %swap3A_109] : memref<8x1024xf32, #tpu.memory_space<vmem>>, vector<1x1024xf32>
    tpu.vector_store %arg6[%swap3A_108, %swap3A_109], %add3A_107 {strides = array<i32>} : memref<8x1024xf32, #tpu.memory_space<vmem>>, vector<1x1024xf32>,
    %get3A_111 = arith.constant 3 : index
    %get3A_112 = arith.constant 0 : index
    %get3A_113 = vector.load %arg6[%get3A_111, %get3A_112] : memref<8x1024xf32, #tpu.memory_space<vmem>>, vector<1x1024xf32>
    %dot_general3A_114 = arith.constant dense<0.000000e+00> : vector<1x1024xf32>
    %dot_general3A_115 = tpu.matmul %broadcast_in_dim3A_85, %select_n3A_83, %dot_general3A_114 {dimension_numbers = #tpu.dot_dimension_numbers<[1], [0], [0], [1], [0, 0, 1, 1], [], []>, transpose_lhs_hint = false} : vector<1x1024xbf16>, vector<1024x1024xbf16>, vector<1x1024xf32> -> vector<1x1024xf32>
    %mul3A_116 = vector.broadcast %select_n3A_89 : f32 to vector<1x1024xf32>
    %mul3A_117 = arith.mulf %mul3A_116, %dot_general3A_115 : vector<1x1024xf32>
    %add3A_118 = arith.addf %get3A_113, %mul3A_117 : vector<1x1024xf32>
    %swap3A_119 = arith.constant 3 : index
    %swap3A_120 = arith.constant 0 : index
    %swap3A_121 = vector.load %arg6[%swap3A_119, %swap3A_120] : memref<8x1024xf32, #tpu.memory_space<vmem>>, vector<1x1024xf32>
    tpu.vector_store %arg6[%swap3A_119, %swap3A_120], %add3A_118 {strides = array<i32>} : memref<8x1024xf32, #tpu.memory_space<vmem>>, vector<1x1024xf32>,
    %eq3A_122 = arith.constant 9 : i32
    %eq3A_123 = arith.cmpi eq, %arg0, %eq3A_122 : i32
    %convert_element_type3A_124 = arith.extui %eq3A_123 : i1 to i32
    %cond3A_125 = arith.constant 0 : i32
    %cond3A_126 = arith.cmpi ne, %convert_element_type3A_124, %cond3A_125 : i32
    scf.if %cond3A_126 {
      %get3A_127 = arith.constant 0 : index
      %get3A_128 = arith.constant 0 : index
      %get3A_129 = vector.load %arg6[%get3A_127, %get3A_128] : memref<8x1024xf32, #tpu.memory_space<vmem>>, vector<1x1024xf32>
      %reduce_sum3A_130 = vector.shape_cast %get3A_129 : vector<1x1024xf32> to vector<1x1x1024xf32>
      %reduce_sum3A_131 = arith.constant dense<0.000000e+00> : vector<1xf32>
      %reduce_sum3A_132 = vector.multi_reduction <add>, %reduce_sum3A_130, %reduce_sum3A_131 [1, 2] : vector<1x1x1024xf32> to vector<1xf32>
      %reduce_sum3A_133 = vector.shape_cast %reduce_sum3A_132 : vector<1xf32> to vector<1x1x1xf32>
      %reduce_sum3A_134 = vector.extract %reduce_sum3A_133[0, 0, 0] : f32 from vector<1x1x1xf32>
      %swap3A_135 = arith.constant 0 : index
      %swap3A_136 = memref.load %arg5[%swap3A_135] : memref<4xf32, #tpu.memory_space<smem>>
      memref.store %reduce_sum3A_134, %arg5[%swap3A_135] : memref<4xf32, #tpu.memory_space<smem>>
      %get3A_137 = arith.constant 2 : index
      %get3A_138 = arith.constant 0 : index
      %get3A_139 = vector.load %arg6[%get3A_137, %get3A_138] : memref<8x1024xf32, #tpu.memory_space<vmem>>, vector<1x1024xf32>
      %reduce_sum3A_140 = vector.shape_cast %get3A_139 : vector<1x1024xf32> to vector<1x1x1024xf32>
      %reduce_sum3A_141 = arith.constant dense<0.000000e+00> : vector<1xf32>
      %reduce_sum3A_142 = vector.multi_reduction <add>, %reduce_sum3A_140, %reduce_sum3A_141 [1, 2] : vector<1x1x1024xf32> to vector<1xf32>
      %reduce_sum3A_143 = vector.shape_cast %reduce_sum3A_142 : vector<1xf32> to vector<1x1x1xf32>
      %reduce_sum3A_144 = vector.extract %reduce_sum3A_143[0, 0, 0] : f32 from vector<1x1x1xf32>
      %swap3A_145 = arith.constant 1 : index
      %swap3A_146 = memref.load %arg5[%swap3A_145] : memref<4xf32, #tpu.memory_space<smem>>
      memref.store %reduce_sum3A_144, %arg5[%swap3A_145] : memref<4xf32, #tpu.memory_space<smem>>
      %get3A_147 = arith.constant 3 : index
      %get3A_148 = arith.constant 0 : index
      %get3A_149 = vector.load %arg6[%get3A_147, %get3A_148] : memref<8x1024xf32, #tpu.memory_space<vmem>>, vector<1x1024xf32>
      %reduce_sum3A_150 = vector.shape_cast %get3A_149 : vector<1x1024xf32> to vector<1x1x1024xf32>
      %reduce_sum3A_151 = arith.constant dense<0.000000e+00> : vector<1xf32>
      %reduce_sum3A_152 = vector.multi_reduction <add>, %reduce_sum3A_150, %reduce_sum3A_151 [1, 2] : vector<1x1x1024xf32> to vector<1xf32>
      %reduce_sum3A_153 = vector.shape_cast %reduce_sum3A_152 : vector<1xf32> to vector<1x1x1xf32>
      %reduce_sum3A_154 = vector.extract %reduce_sum3A_153[0, 0, 0] : f32 from vector<1x1x1xf32>
      %swap3A_155 = arith.constant 2 : index
      %swap3A_156 = memref.load %arg5[%swap3A_155] : memref<4xf32, #tpu.memory_space<smem>>
      memref.store %reduce_sum3A_154, %arg5[%swap3A_155] : memref<4xf32, #tpu.memory_space<smem>>
    } else {
    }
    return
  }
  func.func @transform_0(%arg0: i32) -> (i32, i32) {
    %ge3A = arith.constant 4 : i32
    %ge3A_0 = arith.cmpi sge, %arg0, %ge3A : i32
    %convert_element_type3A = arith.extui %ge3A_0 : i1 to i32
    %ge3A_1 = arith.constant 7 : i32
    %ge3A_2 = arith.cmpi sge, %arg0, %ge3A_1 : i32
    %convert_element_type3A_3 = arith.extui %ge3A_2 : i1 to i32
    %add3A = arith.addi %convert_element_type3A, %convert_element_type3A_3 : i32
    %ge3A_4 = arith.constant 9 : i32
    %ge3A_5 = arith.cmpi sge, %arg0, %ge3A_4 : i32
    %convert_element_type3A_6 = arith.extui %ge3A_5 : i1 to i32
    %add3A_7 = arith.addi %add3A, %convert_element_type3A_6 : i32
    %ge3A_8 = arith.constant 4 : i32
    %ge3A_9 = arith.cmpi sge, %arg0, %ge3A_8 : i32
    %convert_element_type3A_10 = arith.extui %ge3A_9 : i1 to i32
    %mul3A = arith.constant 4 : i32
    %mul3A_11 = arith.muli %convert_element_type3A_10, %mul3A : i32
    %ge3A_12 = arith.constant 7 : i32
    %ge3A_13 = arith.cmpi sge, %arg0, %ge3A_12 : i32
    %convert_element_type3A_14 = arith.extui %ge3A_13 : i1 to i32
    %mul3A_15 = arith.constant 3 : i32
    %mul3A_16 = arith.muli %convert_element_type3A_14, %mul3A_15 : i32
    %add3A_17 = arith.addi %mul3A_11, %mul3A_16 : i32
    %ge3A_18 = arith.constant 9 : i32
    %ge3A_19 = arith.cmpi sge, %arg0, %ge3A_18 : i32
    %convert_element_type3A_20 = arith.extui %ge3A_19 : i1 to i32
    %mul3A_21 = arith.constant 2 : i32
    %mul3A_22 = arith.muli %convert_element_type3A_20, %mul3A_21 : i32
    %add3A_23 = arith.addi %add3A_17, %mul3A_22 : i32
    %sub3A = arith.subi %arg0, %add3A_23 : i32
    %add3A_24 = arith.addi %sub3A, %add3A_7 : i32
    %c0_i32 = arith.constant 0 : i32
    %c0_i32_25 = arith.constant 0 : i32
    return %add3A_7, %c0_i32 : i32, i32
  }
  func.func @transform_1(%arg0: i32) -> (i32, i32) {
    %ge3A = arith.constant 4 : i32
    %ge3A_0 = arith.cmpi sge, %arg0, %ge3A : i32
    %convert_element_type3A = arith.extui %ge3A_0 : i1 to i32
    %ge3A_1 = arith.constant 7 : i32
    %ge3A_2 = arith.cmpi sge, %arg0, %ge3A_1 : i32
    %convert_element_type3A_3 = arith.extui %ge3A_2 : i1 to i32
    %add3A = arith.addi %convert_element_type3A, %convert_element_type3A_3 : i32
    %ge3A_4 = arith.constant 9 : i32
    %ge3A_5 = arith.cmpi sge, %arg0, %ge3A_4 : i32
    %convert_element_type3A_6 = arith.extui %ge3A_5 : i1 to i32
    %add3A_7 = arith.addi %add3A, %convert_element_type3A_6 : i32
    %ge3A_8 = arith.constant 4 : i32
    %ge3A_9 = arith.cmpi sge, %arg0, %ge3A_8 : i32
    %convert_element_type3A_10 = arith.extui %ge3A_9 : i1 to i32
    %mul3A = arith.constant 4 : i32
    %mul3A_11 = arith.muli %convert_element_type3A_10, %mul3A : i32
    %ge3A_12 = arith.constant 7 : i32
    %ge3A_13 = arith.cmpi sge, %arg0, %ge3A_12 : i32
    %convert_element_type3A_14 = arith.extui %ge3A_13 : i1 to i32
    %mul3A_15 = arith.constant 3 : i32
    %mul3A_16 = arith.muli %convert_element_type3A_14, %mul3A_15 : i32
    %add3A_17 = arith.addi %mul3A_11, %mul3A_16 : i32
    %ge3A_18 = arith.constant 9 : i32
    %ge3A_19 = arith.cmpi sge, %arg0, %ge3A_18 : i32
    %convert_element_type3A_20 = arith.extui %ge3A_19 : i1 to i32
    %mul3A_21 = arith.constant 2 : i32
    %mul3A_22 = arith.muli %convert_element_type3A_20, %mul3A_21 : i32
    %add3A_23 = arith.addi %add3A_17, %mul3A_22 : i32
    %sub3A = arith.subi %arg0, %add3A_23 : i32
    %add3A_24 = arith.addi %sub3A, %add3A_7 : i32
    %c0_i32 = arith.constant 0 : i32
    %c0_i32_25 = arith.constant 0 : i32
    return %add3A_24, %c0_i32 : i32, i32
  }
  func.func @transform_2(%arg0: i32) -> (i32, i32) {
    %ge3A = arith.constant 4 : i32
    %ge3A_0 = arith.cmpi sge, %arg0, %ge3A : i32
    %convert_element_type3A = arith.extui %ge3A_0 : i1 to i32
    %ge3A_1 = arith.constant 7 : i32
    %ge3A_2 = arith.cmpi sge, %arg0, %ge3A_1 : i32
    %convert_element_type3A_3 = arith.extui %ge3A_2 : i1 to i32
    %add3A = arith.addi %convert_element_type3A, %convert_element_type3A_3 : i32
    %ge3A_4 = arith.constant 9 : i32
    %ge3A_5 = arith.cmpi sge, %arg0, %ge3A_4 : i32
    %convert_element_type3A_6 = arith.extui %ge3A_5 : i1 to i32
    %add3A_7 = arith.addi %add3A, %convert_element_type3A_6 : i32
    %ge3A_8 = arith.constant 4 : i32
    %ge3A_9 = arith.cmpi sge, %arg0, %ge3A_8 : i32
    %convert_element_type3A_10 = arith.extui %ge3A_9 : i1 to i32
    %mul3A = arith.constant 4 : i32
    %mul3A_11 = arith.muli %convert_element_type3A_10, %mul3A : i32
    %ge3A_12 = arith.constant 7 : i32
    %ge3A_13 = arith.cmpi sge, %arg0, %ge3A_12 : i32
    %convert_element_type3A_14 = arith.extui %ge3A_13 : i1 to i32
    %mul3A_15 = arith.constant 3 : i32
    %mul3A_16 = arith.muli %convert_element_type3A_14, %mul3A_15 : i32
    %add3A_17 = arith.addi %mul3A_11, %mul3A_16 : i32
    %ge3A_18 = arith.constant 9 : i32
    %ge3A_19 = arith.cmpi sge, %arg0, %ge3A_18 : i32
    %convert_element_type3A_20 = arith.extui %ge3A_19 : i1 to i32
    %mul3A_21 = arith.constant 2 : i32
    %mul3A_22 = arith.muli %convert_element_type3A_20, %mul3A_21 : i32
    %add3A_23 = arith.addi %add3A_17, %mul3A_22 : i32
    %sub3A = arith.subi %arg0, %add3A_23 : i32
    %add3A_24 = arith.addi %sub3A, %add3A_7 : i32
    %c0_i32 = arith.constant 0 : i32
    %c0_i32_25 = arith.constant 0 : i32
    return %add3A_7, %c0_i32 : i32, i32
  }
  func.func @transform_3(%arg0: i32) -> (i32, i32) {
    %ge3A = arith.constant 4 : i32
    %ge3A_0 = arith.cmpi sge, %arg0, %ge3A : i32
    %convert_element_type3A = arith.extui %ge3A_0 : i1 to i32
    %ge3A_1 = arith.constant 7 : i32
    %ge3A_2 = arith.cmpi sge, %arg0, %ge3A_1 : i32
    %convert_element_type3A_3 = arith.extui %ge3A_2 : i1 to i32
    %add3A = arith.addi %convert_element_type3A, %convert_element_type3A_3 : i32
    %ge3A_4 = arith.constant 9 : i32
    %ge3A_5 = arith.cmpi sge, %arg0, %ge3A_4 : i32
    %convert_element_type3A_6 = arith.extui %ge3A_5 : i1 to i32
    %add3A_7 = arith.addi %add3A, %convert_element_type3A_6 : i32
    %ge3A_8 = arith.constant 4 : i32
    %ge3A_9 = arith.cmpi sge, %arg0, %ge3A_8 : i32
    %convert_element_type3A_10 = arith.extui %ge3A_9 : i1 to i32
    %mul3A = arith.constant 4 : i32
    %mul3A_11 = arith.muli %convert_element_type3A_10, %mul3A : i32
    %ge3A_12 = arith.constant 7 : i32
    %ge3A_13 = arith.cmpi sge, %arg0, %ge3A_12 : i32
    %convert_element_type3A_14 = arith.extui %ge3A_13 : i1 to i32
    %mul3A_15 = arith.constant 3 : i32
    %mul3A_16 = arith.muli %convert_element_type3A_14, %mul3A_15 : i32
    %add3A_17 = arith.addi %mul3A_11, %mul3A_16 : i32
    %ge3A_18 = arith.constant 9 : i32
    %ge3A_19 = arith.cmpi sge, %arg0, %ge3A_18 : i32
    %convert_element_type3A_20 = arith.extui %ge3A_19 : i1 to i32
    %mul3A_21 = arith.constant 2 : i32
    %mul3A_22 = arith.muli %convert_element_type3A_20, %mul3A_21 : i32
    %add3A_23 = arith.addi %add3A_17, %mul3A_22 : i32
    %sub3A = arith.subi %arg0, %add3A_23 : i32
    %add3A_24 = arith.addi %sub3A, %add3A_7 : i32
    %c0_i32 = arith.constant 0 : i32
    %c0_i32_25 = arith.constant 0 : i32
    return %c0_i32, %add3A_24 : i32, i32
  }
  func.func @transform_4(%arg0: i32) -> i32 {
    %c0_i32 = arith.constant 0 : i32
    %c0_i32_0 = arith.constant 0 : i32
    return %c0_i32 : i32
  }
}

</mosaic_0001>

<sc_bundles>
// kernel: kernel.4.cloned.1.call-start
scs
__scs_entry_jumppad:
0x0: {  	(pc) =	sbr.rel $0x88, $3  }
0x1: {  	(tag) =	ssettag $0x0;
	lr =	simm.s32 $0x1  }
0x2: {  	[smem:$0x3F9F] =	sst lr;
	_ =	strace $0xD0000000  }
0x3: {  	_ = 	snop  }
0x4: {  	_ = 	snop  }
0x5: {  	_ = 	snop  }
0x6: {  	_ = 	snop  }
0x7: {  	_ = 	snop  }
__scs_overlays_trampoline_lowered:
0x8: {  	[smem:$0x3FAE] =	sst s0  }
0x9: {  	[smem:$0x3FAF] =	sst s1  }
0xa: {  	[smem:$0x3FB0] =	sst s2  }
0xb: {  	[smem:$0x3FB1] =	sst s3  }
0xc: {  	[smem:$0x3FB2] =	sst s4  }
0xd: {  	[smem:$0x3FB3] =	sst s5  }
0xe: {  	[smem:$0x3FB4] =	sst s6  }
0xf: {  	[smem:$0x3FB5] =	sst s7  }
0x10: {  	[smem:$0x3FB6] =	sst s8  }
0x11: {  	[smem:$0x3FB7] =	sst s9;
	s0 =	simm.s32 @!p0 $0x0  }
0x12: {  	s1 =	sld [smem:$0x3F9D];
	s0 =	simm.s32 @p0 $0x1  }
0x13: {  	[smem:$0x3FB8] =	sst s0;
	s0 =	simm.s32 @!p1 $0x0  }
0x14: {  	s2 =	sld [smem:$0x3F9C];
	s0 =	simm.s32 @p1 $0x1  }
0x15: {  	[smem:$0x3FB9] =	sst s0;
	s0 =	simm.s32 @!p2 $0x0  }
0x16: {  	s3 =	sld [smem:$0x3FDB];
	s0 =	simm.s32 @p2 $0x1  }
0x17: {  	s4 =	simm.s32 $0x1BF5;
	[smem:$0x3FBB] =	sst s0  }
0x18: {  	s0 =	sld [smem:$0x3F9E];
	_ =	swait.ge [sflag:s4], $0x0  }
0x19: {  	s7 =	sld [smem:$0x3F9F]  }
0x1a: {  	s8 =	sadd.s32 $0xFFFFE003, lr  }
0x1b: {  	s9 =	sadd.s32 $0xFFFFFEF7, lr;
	s5 =	simm.s32 $0xFFFFFFFF;
	p2 =	slt.u32 s8, $0xFFFFF086  }
0x1c: {  	p1 =	slt.u32 s9, $0xF7A;
	s5 =	simm.s32 @!p2 $0x0  }
0x1d: {  	s5 =	simm.s32 @p1 $0x1;
	p0 =	seq.s32 s7, s2  }
0x1e: {  	s7 =	smul.u32 @!p0 $0xF7A, s2;
	p2 =	seq.s32 @!p0 s5, $0x0  }
0x1f: {  	s9 =	smul.u32 $0xF7A, s1;
	s8 =	simm.s32 @!p0 $0x1BF5;
	p2 =	por !p2, p0  }
0x20: {  	[sflag:s8] =	ssyncset.s32 @!p0 $0xFFFFF086;
	s6 =	sadd.s32 @!p0 s3, s7;
	s7 =	simm.s32 @!p0 $0x108  }
0x21: {  	s3 =	sadd.s32 s3, s9;
	s6 =	sadd.s32 @!p0 $0x88, s6;
	s7 =	simm.s32 @p2 $0x1082  }
0x22: {  	[simem:s7], [sflag:s8] =	dma.local @!p0 [hbm:s6], $0xF7A  }
0x23: {  	s9 =	sor.u32 $0xD0000000, s2;
	s6 =	simm.s32 $0x108;
	_ =	swait.ge @!p0 [sflag:s8], $0x0  }
0x24: {  	s3 =	sadd.s32 $0x88, s3;
	s6 =	simm.s32 @!p1 $0x1082;
	[sflag:s4] =	ssyncset.s32 $0xFFFFF086  }
0x25: {  	[simem:s6], [sflag:s4] =	dma.local [hbm:s3], $0xF7A  }
0x26: {  	[smem:$0x3F9F] =	sst s1;
	(tag) =	ssettag s2;
	_ =	strace s9  }
0x27: {  	s1 =	sld [smem:$0x3FAF]  }
0x28: {  	s2 =	sld [smem:$0x3FB0]  }
0x29: {  	s4 =	sld [smem:$0x3FB2]  }
0x2a: {  	p0 =	seq.s32 s5, $0x0;
	s5 =	sld [smem:$0x3FB3]  }
0x2b: {  	s6 =	sld [smem:$0x3FB4]  }
0x2c: {  	s7 =	sld [smem:$0x3FB5]  }
0x2d: {  	s3 =	simm.s32 $0x108;
	s8 =	sld [smem:$0x3FB6]  }
0x2e: {  	s3 =	simm.s32 @!p0 $0x1082;
	s9 =	sld [smem:$0x3FB7]  }
0x2f: {  	lr =	sadd.s32 s0, s3;
	s0 =	sld [smem:$0x3FAE]  }
0x30: {  	s3 =	sld [smem:$0x3FB1]  }
0x31: {  	[smem:$0x3FBA] =	sst s10  }
0x32: {  	s10 =	sld [smem:$0x3FB8];
	_ =	sdelay $0x3  }
0x33: {  	p0 =	seq.s32 s10, $0x1;
	s10 =	sld [smem:$0x3FBA];
	_ =	sdelay $0x3  }
0x34: {  	[smem:$0x3FBA] =	sst s10  }
0x35: {  	s10 =	sld [smem:$0x3FB9];
	_ =	sdelay $0x3  }
0x36: {  	p1 =	seq.s32 s10, $0x1;
	s10 =	sld [smem:$0x3FBA];
	_ =	sdelay $0x3  }
0x37: {  	[smem:$0x3FBA] =	sst s10  }
0x38: {  	s10 =	sld [smem:$0x3FBB]  }
0x39: {  	_ = 	snop;
	(pc) =	sbr.ind lr, $3  }
0x3a: {  	_ = 	snop  }
0x3b: {  	_ = 	snop  }
0x3c: {  	p2 =	seq.s32 s10, $0x1;
	s10 =	sld [smem:$0x3FBA]  }
0x3d: {  	_ =	shalt  }
0x3e: {  	_ =	shalt  }
0x3f: {  	_ =	shalt  }
0x40: {  	_ =	shalt  }
0x41: {  	_ =	shalt  }
0x42: {  	_ =	shalt  }
0x43: {  	_ =	shalt  }
0x44: {  	_ =	shalt  }
0x45: {  	_ =	shalt  }
0x46: {  	_ =	shalt  }
0x47: {  	_ =	shalt  }
0x48: {  	_ =	shalt  }
0x49: {  	_ =	shalt  }
0x4a: {  	_ =	shalt  }
0x4b: {  	_ =	shalt  }
0x4c: {  	_ =	shalt  }
0x4d: {  	_ =	shalt  }
0x4e: {  	_ =	shalt  }
0x4f: {  	_ =	shalt  }
0x50: {  	_ =	shalt  }
0x51: {  	_ =	shalt  }
0x52: {  	_ =	shalt  }
0x53: {  	_ =	shalt  }
0x54: {  	_ =	shalt  }
0x55: {  	_ =	shalt  }
0x56: {  	_ =	shalt  }
0x57: {  	_ =	shalt  }
0x58: {  	_ =	shalt  }
0x59: {  	_ =	shalt  }
0x5a: {  	_ =	shalt  }
0x5b: {  	_ =	shalt  }
0x5c: {  	_ =	shalt  }
0x5d: {  	_ =	shalt  }
0x5e: {  	_ =	shalt  }
0x5f: {  	_ =	shalt  }
0x60: {  	_ =	shalt  }
0x61: {  	_ =	shalt  }
0x62: {  	_ =	shalt  }
0x63: {  	_ =	shalt  }
0x64: {  	_ =	shalt  }
0x65: {  	_ =	shalt  }
0x66: {  	_ =	shalt  }
0x67: {  	_ =	shalt  }
0x68: {  	_ =	shalt  }
0x69: {  	_ =	shalt  }
0x6a: {  	_ =	shalt  }
0x6b: {  	_ =	shalt  }
0x6c: {  	_ =	shalt  }
0x6d: {  	_ =	shalt  }
0x6e: {  	_ =	shalt  }
0x6f: {  	_ =	shalt  }
0x70: {  	_ =	shalt  }
0x71: {  	_ =	shalt  }
0x72: {  	_ =	shalt  }
0x73: {  	_ =	shalt  }
0x74: {  	_ =	shalt  }
0x75: {  	_ =	shalt  }
0x76: {  	_ =	shalt  }
0x77: {  	_ =	shalt  }
0x78: {  	_ =	shalt  }
0x79: {  	_ =	shalt  }
0x7a: {  	_ =	shalt  }
0x7b: {  	_ =	shalt  }
0x7c: {  	_ =	shalt  }
0x7d: {  	_ =	shalt  }
0x7e: {  	_ =	shalt  }
0x7f: {  	_ =	shalt  }
0x80: {  	_ =	shalt  }
0x81: {  	_ =	shalt  }
0x82: {  	_ =	shalt  }
0x83: {  	_ =	shalt  }
0x84: {  	_ =	shalt  }
0x85: {  	_ =	shalt  }
0x86: {  	_ =	shalt  }
0x87: {  	_ =	shalt  }
.Lfunc_end0:
.L_simem_size_0:
called_computation_lowered:
.L_overlay_start_0:
0x88: {  	s0 =	sld [smem:$0x3FD9]  }
0x89: {  	s1 =	sld [smem:$0x3FFE];
	_ =	sdelay $0x3  }
0x8a: {  	s0 =	sadd.s32 s1, s0  }
0x8b: {  	[smem:$0x3FC6] =	sst s0  }
0x8c: {  	_ = 	snop  }
0x8d: {  	s0 =	sld [smem:$0x3FC8];
	(tm) =	ssettm $0x1  }
0x8e: {  	s16 =	sld [smem:$0x3FFB];
	_ =	sdelay $0x3  }
0x8f: {  	_ =	strace s16  }
0x90: {  	s1 =	sld [smem:$0x3FFC];
	_ =	sdelay $0x3  }
0x91: {  	_ =	strace s1  }
0x92: {  	s1 =	sld [smem:$0x3FFD];
	_ =	sdelay $0x3  }
0x93: {  	_ =	strace s1  }
0x94: {  	_ =	strace $0x8FFFFFFF  }
0x95: {  	s17 =	sld [smem:$0x3FDB];
	_ =	sdelay $0x1  }
0x96: {  	s2 =	simm.s32 $_scs_section_size  }
0x97: {  	s3 =	simm.s32 $_size__tile_overlayer_lowered;
	s4 =	simm.s32 $_tile_overlayer_lowered  }
0x98: {  	s20 =	simm.s32 $0x1BFF;
	s19 =	sshll.u32 s4, $0x1;
	s1 =	sadd.s32 s2, s17  }
0x99: {  	s5 =	simm.s32 $0x0;
	s18 =	sshll.u32 s3, $0x1;
	s3 =	sadd.s32 s19, s1  }
0x9a: {  	[timem:s5], [sflag:s20] =	dma.local [hbm:s3], s18  }
0x9b: {  	_ =	swait.ge [sflag:s20], s18  }
0x9c: {  	s2 =	ssub.s32 $0x0, s18;
	[sflag:s20] =	ssyncset.done $0x0  }
0x9d: {  	[sflag:s20] =	ssyncadd.s32 s2;
	_ =	sdelay $0x1  }
0x9e: {  	s21 =	simm.s32 $0x1B8B  }
0x9f: {  	_ =	swait.ge [sflag:s21], $0x1  }
0xa0: {  	[sflag:s21] =	ssyncset.done $0x0  }
0xa1: {  	s23 =	simm.s32 $0x1B8E;
	s22 =	sld [smem:$0x3FFE];
	[sflag:s21] =	ssyncadd.s32 $0xFFFFFFFF  }
0xa2: {  	s24 =	simm.s32 $execute0_lowered;
	[smem:$0x3FD2] =	sst s23  }
0xa3: {  	s3 =	sshll.u32 s24, $0x1;
	_ =	strace $0x80000046;
	[dreg:$0x1] =	wrdreg $0xFFFFFFFF  }
0xa4: {  	s25 =	simm.s32 $_size_execute0_lowered;
	s1 =	sadd.s32 s1, s3;
	[dreg:$0x0] =	wrdreg $0x0  }
0xa5: {  	s3 =	sshll.u32 s25, $0x1;
	[dreg:$0x2] =	wrdreg s1  }
0xa6: {  	[dreg:$0x3] =	wrdreg s3  }
0xa7: {  	[dreg:$0x4] =	wrdreg $0xC0  }
0xa8: {  	_ =	task [dreg:s5], $0x5FFFF  }
0xa9: {  	[dreg:$0x1] =	wrdreg $0xFFFFFFFF  }
0xaa: {  	[dreg:$0x0] =	wrdreg $0x60  }
0xab: {  	[dreg:$0x2] =	wrdreg s0  }
0xac: {  	[dreg:$0x3] =	wrdreg s22  }
0xad: {  	[dreg:$0x4] =	wrdreg $0x6000  }
0xae: {  	[dreg:$0x5] =	wrdreg $0x9  }
0xaf: {  	_ =	task.clear_ibuf [dreg:s5], $0x6FFFF;
	_ =	strace $0x90000046  }
0xb0: {  	s26 =	simm.s32 $0x9;
	_ =	strace $0x80000048  }
0xb1: {  	_ =	swait.ge [sflag:s26], $0x1  }
0xb2: {  	[sflag:s26] =	ssyncadd.s32 $0xFFFFFFFF  }
0xb3: {  	_ =	strace $0x90000048  }
0xb4: {  	_ =	sfence  }
0xb5: {  	s28 =	sld [smem:$0x0];
	_ =	sdelay $0x1  }
0xb6: {  	s29 =	srdreg.scid  }
0xb7: {  	s30 =	sshll.u32 s29, $0xD;
	s31 =	sshrl.u32 s29, $0x2  }
0xb8: {  	s2 =	sand.u32 $0x4000, s30;
	s1 =	sand.u32 $0x1, s29;
	s0 =	sadd.s32 s31, s28  }
0xb9: {  	s1 =	sor.u32 s2, s1;
	s0 =	sshll.u32 s0, $0x11  }
0xba: {  	s0 =	sor.u32 s0, s1  }
0xbb: {  	s0 =	sadd.s32 $0x8F2B, s0  }
0xbc: {  	[sflag:s0] =	ssyncadd.remote.s32 $0x1  }
0xbd: {  	_ =	sfence.sel $0xFFFF  }
0xbe: {  	[dreg:$0x0] =	wrdreg $0xFFFFFFFF;
	(pc) =	sbr.abs _section_cstart, $3  }
0xbf: {  	[dreg:$0x1] =	wrdreg $0xFFFFFFFF  }
0xc0: {  	_ =	task.clear_ibuf [dreg:s5], $0x2FFFF;
	_ =	strace $0x9FFFFFFF  }
0xc1: {  	(tm) =	ssettm $0x7FFFFFFF  }
tec
execute0_lowered:
.L_overlay_start_1:
0x0: {  	(tag) =	ssettag $0x1  }
0x1: {  	s3 =	rddreg [dreg:$0x0]  }
0x2: {  	s1 =	rddreg [dreg:$0x1]  }
0x3: {  	s4 =	rddreg [dreg:$0x2];
	s2 =	simm.s32 $0x0  }
0x4: {  	v0 =	vimm.f32 $1.000000000e+00;
	[smem:$0x7FF] =	sst s2  }
0x5: {  	s0 =	rddreg [dreg:$0x3];
	_ =	strace $0x80000047;
	[tilespmem:$0x100] =	vst v0  }
0x6: {  	[tilespmem:$0x110] =	vst v0  }
0x7: {  	[tilespmem:$0x120] =	vst v0  }
0x8: {  	[tilespmem:$0x130] =	vst v0  }
0x9: {  	[tilespmem:$0x140] =	vst v0  }
0xa: {  	[tilespmem:$0x150] =	vst v0  }
0xb: {  	[tilespmem:$0x160] =	vst v0  }
0xc: {  	[tilespmem:$0x170] =	vst v0  }
0xd: {  	[tilespmem:$0x180] =	vst v0  }
0xe: {  	[tilespmem:$0x190] =	vst v0  }
0xf: {  	[tilespmem:$0x1A0] =	vst v0  }
0x10: {  	[tilespmem:$0x1B0] =	vst v0  }
0x11: {  	[tilespmem:$0x1C0] =	vst v0  }
0x12: {  	[tilespmem:$0x1D0] =	vst v0  }
0x13: {  	[tilespmem:$0x1E0] =	vst v0  }
0x14: {  	[tilespmem:$0x1F0] =	vst v0;
	v0 =	vimm.f32 $0.0e+00  }
0x15: {  	[tilespmem:$0x200] =	vst v0  }
0x16: {  	[tilespmem:$0x210] =	vst v0  }
0x17: {  	[tilespmem:$0x220] =	vst v0  }
0x18: {  	[tilespmem:$0x230] =	vst v0  }
0x19: {  	[tilespmem:$0x240] =	vst v0  }
0x1a: {  	[tilespmem:$0x250] =	vst v0  }
0x1b: {  	[tilespmem:$0x260] =	vst v0  }
0x1c: {  	[tilespmem:$0x270] =	vst v0  }
0x1d: {  	[tilespmem:$0x280] =	vst v0  }
0x1e: {  	[tilespmem:$0x290] =	vst v0  }
0x1f: {  	[tilespmem:$0x2A0] =	vst v0  }
0x20: {  	[tilespmem:$0x2B0] =	vst v0  }
0x21: {  	[tilespmem:$0x2C0] =	vst v0  }
0x22: {  	[tilespmem:$0x2D0] =	vst v0  }
0x23: {  	[tilespmem:$0x2E0] =	vst v0  }
0x24: {  	[tilespmem:$0x2F0] =	vst v0  }
0x25: {  	[tilespmem:$0x300] =	vst v0  }
0x26: {  	[tilespmem:$0x310] =	vst v0  }
0x27: {  	[tilespmem:$0x320] =	vst v0  }
0x28: {  	[tilespmem:$0x330] =	vst v0  }
0x29: {  	[tilespmem:$0x340] =	vst v0  }
0x2a: {  	[tilespmem:$0x350] =	vst v0  }
0x2b: {  	[tilespmem:$0x360] =	vst v0  }
0x2c: {  	[tilespmem:$0x370] =	vst v0  }
0x2d: {  	[tilespmem:$0x380] =	vst v0  }
0x2e: {  	[tilespmem:$0x390] =	vst v0  }
0x2f: {  	[tilespmem:$0x3A0] =	vst v0  }
0x30: {  	[tilespmem:$0x3B0] =	vst v0  }
0x31: {  	[tilespmem:$0x3C0] =	vst v0  }
0x32: {  	[tilespmem:$0x3D0] =	vst v0  }
0x33: {  	[tilespmem:$0x3E0] =	vst v0  }
0x34: {  	[tilespmem:$0x3F0] =	vst v0  }
0x35: {  	[tilespmem:$0x400] =	vst v0  }
0x36: {  	[tilespmem:$0x410] =	vst v0  }
0x37: {  	[tilespmem:$0x420] =	vst v0  }
0x38: {  	[tilespmem:$0x430] =	vst v0  }
0x39: {  	[tilespmem:$0x440] =	vst v0  }
0x3a: {  	[tilespmem:$0x450] =	vst v0  }
0x3b: {  	[tilespmem:$0x460] =	vst v0  }
0x3c: {  	[tilespmem:$0x470] =	vst v0  }
0x3d: {  	[tilespmem:$0x480] =	vst v0  }
0x3e: {  	[tilespmem:$0x490] =	vst v0  }
0x3f: {  	[tilespmem:$0x4A0] =	vst v0  }
0x40: {  	[tilespmem:$0x4B0] =	vst v0  }
0x41: {  	[tilespmem:$0x4C0] =	vst v0  }
0x42: {  	[tilespmem:$0x4D0] =	vst v0  }
0x43: {  	[tilespmem:$0x4E0] =	vst v0  }
0x44: {  	[tilespmem:$0x4F0] =	vst v0  }
0x45: {  	[tilespmem:$0x500] =	vst v0  }
0x46: {  	[tilespmem:$0x510] =	vst v0  }
0x47: {  	[tilespmem:$0x520] =	vst v0  }
0x48: {  	[tilespmem:$0x530] =	vst v0  }
0x49: {  	[tilespmem:$0x540] =	vst v0  }
0x4a: {  	[tilespmem:$0x550] =	vst v0  }
0x4b: {  	[tilespmem:$0x560] =	vst v0  }
0x4c: {  	[tilespmem:$0x570] =	vst v0  }
0x4d: {  	[tilespmem:$0x580] =	vst v0  }
0x4e: {  	[tilespmem:$0x590] =	vst v0  }
0x4f: {  	[tilespmem:$0x5A0] =	vst v0  }
0x50: {  	[tilespmem:$0x5B0] =	vst v0  }
0x51: {  	[tilespmem:$0x5C0] =	vst v0  }
0x52: {  	s5 =	stileid.u32;
	[tilespmem:$0x5D0] =	vst v0  }
0x53: {  	p0 =	sne.s32 s5, $0x0;
	[tilespmem:$0x5E0] =	vst v0  }
0x54: {  	s6 =	simm.s32 @!p0 $0x200;
	[tilespmem:$0x5F0] =	vst v0  }
0x55: {  	[spmem:s4] =	stream.linear.scatter @!p0 [tilespmem:s6], [sflag:$0x1], $0x400, $0x38;
	[tilespmem:$0x6C0] =	vst v63  }
0x56: {  	s6 =	simm.s32 @!p0 $0x1  }
0x57: {  	_ =	swait.ge @!p0 [sflag:s6], $0x400  }
0x58: {  	[sflag:s6] =	ssyncset.done @!p0 $0x0  }
0x59: {  	s5 =	sshll.u32 s5, $0x5;
	[sflag:s6] =	ssyncadd.s32 @!p0 $0xFFFFFC00  }
0x5a: {  	s3 =	sadd.s32 s3, s5;
	[bflag:$0x0] =	sbarrier.arrive $0xFFFF  }
0x5b: {  	[tilespmem:s2], [sflag:$0x1] =	stream.linear.gather [hbm4b:s3+s2], $0x100, $0x38;
	[tilespmem:$0x6C0] =	vst v63  }
0x5c: {  	s3 =	simm.s32 $0x1  }
0x5d: {  	_ =	swait.ge [sflag:s3], $0x100  }
0x5e: {  	[sflag:s3] =	ssyncset.done $0x0  }
0x5f: {  	s31 =	simm.s32 $0x100;
	[sflag:s3] =	ssyncadd.s32 $0xFFFFFF00  }
0x60: {  	[spmem:s4] =	stream.indirect.scatter.add.f32 [tilespmem:s31], [sflag:$0x1], $0x1, s2, s31, $0xb8;
	[tilespmem:$0x6C0] =	vst v63  }
0x61: {  	_ =	swait.ge [sflag:s3], $0x100  }
0x62: {  	[sflag:s3] =	ssyncset.done $0x0  }
0x63: {  	[sflag:s3] =	ssyncadd.s32 $0xFFFFFF00  }
0x64: {  	[bflag:$0x0] =	sbarrier.arrive $0xFFFF  }
0x65: {  	_ =	sfence.sel @p0 $0x180000  }
0x66: {  	[bflag:$0x0] =	sbarrier.arrive @p0 $0xFFFF  }
0x67: {  	_ =	strace @p0 $0x90000047  }
0x68: {  	[bflag:$0x2] =	sbarrier.arrive @p0 $0xFFFF  }
0x69: {  	_ =	shalt @p0  }
.LBB2_1:
0x6a: {  	s5 =	simm.s32 $0x200  }
0x6b: {  	[tilespmem:s5], [sflag:$0x1] =	stream.linear.gather [spmem:s4], $0x400, $0x38;
	[tilespmem:$0x6C0] =	vst v63  }
0x6c: {  	_ =	swait.ge [sflag:s3], $0x400  }
0x6d: {  	[sflag:s3] =	ssyncset.done $0x0  }
0x6e: {  	[sflag:s3] =	ssyncadd.s32 $0xFFFFFC00  }
0x6f: {  	v1 =	vld [tilespmem:$0x200]  }
0x70: {  	v2 =	vld [tilespmem:$0x210];
	_ =	sdelay $0x1  }
0x71: {  	v3 =	vld [tilespmem:$0x220];
	_ =	sdelay $0x1  }
0x72: {  	v4 =	vld [tilespmem:$0x230]  }
0x73: {  	v1 =	vmul.f32 v1, v1;
	v2 =	vmul.f32 v2, v2  }
0x74: {  	v5 =	vld [tilespmem:$0x240]  }
0x75: {  	v3 =	vmul.f32 v3, v3;
	v2 =	vadd.f32 v2, v1  }
0x76: {  	v6 =	vld [tilespmem:$0x250]  }
0x77: {  	v4 =	vmul.f32 v4, v4;
	v3 =	vadd.f32 v3, v2  }
0x78: {  	v7 =	vld [tilespmem:$0x260]  }
0x79: {  	v5 =	vmul.f32 v5, v5;
	v4 =	vadd.f32 v4, v3  }
0x7a: {  	v8 =	vld [tilespmem:$0x270]  }
0x7b: {  	v6 =	vmul.f32 v6, v6;
	v5 =	vadd.f32 v5, v4  }
0x7c: {  	v9 =	vld [tilespmem:$0x280]  }
0x7d: {  	v7 =	vmul.f32 v7, v7;
	v6 =	vadd.f32 v6, v5  }
0x7e: {  	v10 =	vld [tilespmem:$0x290]  }
0x7f: {  	v8 =	vmul.f32 v8, v8;
	v7 =	vadd.f32 v7, v6  }
0x80: {  	v11 =	vld [tilespmem:$0x2A0]  }
0x81: {  	v9 =	vmul.f32 v9, v9;
	v8 =	vadd.f32 v8, v7  }
0x82: {  	v12 =	vld [tilespmem:$0x2B0]  }
0x83: {  	v10 =	vmul.f32 v10, v10;
	v9 =	vadd.f32 v9, v8  }
0x84: {  	v13 =	vld [tilespmem:$0x2C0]  }
0x85: {  	v11 =	vmul.f32 v11, v11;
	v10 =	vadd.f32 v10, v9  }
0x86: {  	v14 =	vld [tilespmem:$0x2D0]  }
0x87: {  	v12 =	vmul.f32 v12, v12;
	v11 =	vadd.f32 v11, v10  }
0x88: {  	v15 =	vld [tilespmem:$0x2E0]  }
0x89: {  	v13 =	vmul.f32 v13, v13;
	v12 =	vadd.f32 v12, v11  }
0x8a: {  	v16 =	vld [tilespmem:$0x2F0]  }
0x8b: {  	v14 =	vmul.f32 v14, v14;
	v13 =	vadd.f32 v13, v12  }
0x8c: {  	v17 =	vld [tilespmem:$0x300]  }
0x8d: {  	v15 =	vmul.f32 v15, v15;
	v14 =	vadd.f32 v14, v13  }
0x8e: {  	v18 =	vld [tilespmem:$0x310]  }
0x8f: {  	v16 =	vmul.f32 v16, v16;
	v15 =	vadd.f32 v15, v14  }
0x90: {  	v19 =	vld [tilespmem:$0x320]  }
0x91: {  	v17 =	vmul.f32 v17, v17;
	v16 =	vadd.f32 v16, v15  }
0x92: {  	v20 =	vld [tilespmem:$0x330]  }
0x93: {  	v18 =	vmul.f32 v18, v18;
	v17 =	vadd.f32 v17, v16  }
0x94: {  	v21 =	vld [tilespmem:$0x340]  }
0x95: {  	v19 =	vmul.f32 v19, v19;
	v18 =	vadd.f32 v18, v17  }
0x96: {  	v22 =	vld [tilespmem:$0x350]  }
0x97: {  	v20 =	vmul.f32 v20, v20;
	v19 =	vadd.f32 v19, v18  }
0x98: {  	v23 =	vld [tilespmem:$0x360]  }
0x99: {  	v21 =	vmul.f32 v21, v21;
	v20 =	vadd.f32 v20, v19  }
0x9a: {  	v24 =	vld [tilespmem:$0x370]  }
0x9b: {  	v22 =	vmul.f32 v22, v22;
	v21 =	vadd.f32 v21, v20  }
0x9c: {  	v25 =	vld [tilespmem:$0x380]  }
0x9d: {  	v23 =	vmul.f32 v23, v23;
	v22 =	vadd.f32 v22, v21  }
0x9e: {  	v26 =	vld [tilespmem:$0x390]  }
0x9f: {  	v24 =	vmul.f32 v24, v24;
	v23 =	vadd.f32 v23, v22  }
0xa0: {  	v27 =	vld [tilespmem:$0x3A0]  }
0xa1: {  	v25 =	vmul.f32 v25, v25;
	v24 =	vadd.f32 v24, v23  }
0xa2: {  	v28 =	vld [tilespmem:$0x3B0]  }
0xa3: {  	v26 =	vmul.f32 v26, v26;
	v25 =	vadd.f32 v25, v24  }
0xa4: {  	v29 =	vld [tilespmem:$0x3C0]  }
0xa5: {  	v27 =	vmul.f32 v27, v27;
	v26 =	vadd.f32 v26, v25  }
0xa6: {  	v30 =	vld [tilespmem:$0x3D0]  }
0xa7: {  	v28 =	vmul.f32 v28, v28;
	v27 =	vadd.f32 v27, v26  }
0xa8: {  	v31 =	vld [tilespmem:$0x3E0]  }
0xa9: {  	v29 =	vmul.f32 v29, v29;
	v28 =	vadd.f32 v28, v27  }
0xaa: {  	v32 =	vld [tilespmem:$0x3F0]  }
0xab: {  	v30 =	vmul.f32 v30, v30;
	v29 =	vadd.f32 v29, v28  }
0xac: {  	v33 =	vld [tilespmem:$0x400]  }
0xad: {  	v31 =	vmul.f32 v31, v31;
	v30 =	vadd.f32 v30, v29  }
0xae: {  	v34 =	vld [tilespmem:$0x410]  }
0xaf: {  	v32 =	vmul.f32 v32, v32;
	v31 =	vadd.f32 v31, v30  }
0xb0: {  	v35 =	vld [tilespmem:$0x420]  }
0xb1: {  	v33 =	vmul.f32 v33, v33;
	v32 =	vadd.f32 v32, v31  }
0xb2: {  	v36 =	vld [tilespmem:$0x430]  }
0xb3: {  	[tilespmem:$0x640] =	vst v0;
	v50 =	vmul.f32 v34, v34;
	v49 =	vadd.f32 v33, v32  }
0xb4: {  	v51 =	vld [tilespmem:$0x440];
	[tilespmem:$0x640] =	vst v1  }
0xb5: {  	v53 =	vmul.f32 v35, v35;
	[tilespmem:$0x640] =	vst v2;
	v52 =	vadd.f32 v50, v49  }
0xb6: {  	v54 =	vld [tilespmem:$0x450];
	[tilespmem:$0x640] =	vst v3  }
0xb7: {  	v56 =	vmul.f32 v36, v36;
	[tilespmem:$0x640] =	vst v4;
	v55 =	vadd.f32 v53, v52  }
0xb8: {  	v57 =	vld [tilespmem:$0x460];
	[tilespmem:$0x640] =	vst v5  }
0xb9: {  	v1 =	vmul.f32 v51, v51;
	[tilespmem:$0x640] =	vst v6;
	v58 =	vadd.f32 v56, v55  }
0xba: {  	v59 =	vld [tilespmem:$0x470];
	[tilespmem:$0x640] =	vst v7  }
0xbb: {  	v3 =	vmul.f32 v54, v54;
	[tilespmem:$0x640] =	vst v8;
	v1 =	vadd.f32 v1, v58  }
0xbc: {  	v60 =	vld [tilespmem:$0x480];
	[tilespmem:$0x640] =	vst v9  }
0xbd: {  	v5 =	vmul.f32 v57, v57;
	[tilespmem:$0x640] =	vst v10;
	v3 =	vadd.f32 v3, v1  }
0xbe: {  	v61 =	vld [tilespmem:$0x490];
	[tilespmem:$0x640] =	vst v11  }
0xbf: {  	v7 =	vmul.f32 v59, v59;
	[tilespmem:$0x640] =	vst v12;
	v5 =	vadd.f32 v5, v3  }
0xc0: {  	v62 =	vld [tilespmem:$0x4A0];
	[tilespmem:$0x640] =	vst v13  }
0xc1: {  	v8 =	vmul.f32 v60, v60;
	[tilespmem:$0x640] =	vst v14;
	v7 =	vadd.f32 v7, v5  }
0xc2: {  	v63 =	vld [tilespmem:$0x4B0];
	[tilespmem:$0x640] =	vst v15  }
0xc3: {  	v9 =	vmul.f32 v61, v61;
	[tilespmem:$0x640] =	vst v16;
	v8 =	vadd.f32 v8, v7  }
0xc4: {  	[tilespmem:$0x640] =	vst v17;
	v17 =	vld [tilespmem:$0x4C0]  }
0xc5: {  	v10 =	vmul.f32 v62, v62;
	[tilespmem:$0x640] =	vst v18;
	v9 =	vadd.f32 v9, v8  }
0xc6: {  	[tilespmem:$0x640] =	vst v19;
	v19 =	vld [tilespmem:$0x4D0]  }
0xc7: {  	v11 =	vmul.f32 v63, v63;
	[tilespmem:$0x640] =	vst v20;
	v10 =	vadd.f32 v10, v9  }
0xc8: {  	[tilespmem:$0x640] =	vst v21;
	v33 =	vld [tilespmem:$0x4E0]  }
0xc9: {  	v12 =	vmul.f32 v17, v17;
	[tilespmem:$0x640] =	vst v22;
	v11 =	vadd.f32 v11, v10  }
0xca: {  	v34 =	vld [tilespmem:$0x4F0];
	[tilespmem:$0x640] =	vst v23  }
0xcb: {  	v13 =	vmul.f32 v19, v19;
	[tilespmem:$0x640] =	vst v24;
	v12 =	vadd.f32 v12, v11  }
0xcc: {  	v35 =	vld [tilespmem:$0x500];
	[tilespmem:$0x640] =	vst v25  }
0xcd: {  	[tilespmem:$0x640] =	vst v26;
	v14 =	vmul.f32 v33, v33;
	v13 =	vadd.f32 v13, v12  }
0xce: {  	v36 =	vld [tilespmem:$0x510];
	[tilespmem:$0x640] =	vst v27  }
0xcf: {  	v15 =	vmul.f32 v34, v34;
	[tilespmem:$0x640] =	vst v28;
	v14 =	vadd.f32 v14, v13  }
0xd0: {  	v37 =	vld [tilespmem:$0x520];
	[tilespmem:$0x640] =	vst v29  }
0xd1: {  	v16 =	vmul.f32 v35, v35;
	[tilespmem:$0x640] =	vst v30;
	v15 =	vadd.f32 v15, v14  }
0xd2: {  	v38 =	vld [tilespmem:$0x530];
	[tilespmem:$0x640] =	vst v31  }
0xd3: {  	v17 =	vmul.f32 v36, v36;
	[tilespmem:$0x640] =	vst v32;
	v16 =	vadd.f32 v16, v15  }
0xd4: {  	v39 =	vld [tilespmem:$0x540];
	[tilespmem:$0x640] =	vst v49  }
0xd5: {  	v41 =	vmul.f32 v37, v37;
	[tilespmem:$0x640] =	vst v52;
	v40 =	vadd.f32 v17, v16  }
0xd6: {  	v42 =	vld [tilespmem:$0x550];
	[tilespmem:$0x640] =	vst v55  }
0xd7: {  	v44 =	vmul.f32 v38, v38;
	[tilespmem:$0x640] =	vst v58;
	v43 =	vadd.f32 v41, v40  }
0xd8: {  	v45 =	vld [tilespmem:$0x560];
	[tilespmem:$0x640] =	vst v1  }
0xd9: {  	v0 =	vmul.f32 v39, v39;
	[tilespmem:$0x640] =	vst v3;
	v46 =	vadd.f32 v44, v43  }
0xda: {  	v47 =	vld [tilespmem:$0x570];
	[tilespmem:$0x640] =	vst v5  }
0xdb: {  	v4 =	vmul.f32 v42, v42;
	[tilespmem:$0x640] =	vst v7;
	v0 =	vadd.f32 v0, v46  }
0xdc: {  	v48 =	vld [tilespmem:$0x580];
	[tilespmem:$0x640] =	vst v8  }
0xdd: {  	v1 =	vmul.f32 v45, v45;
	[tilespmem:$0x640] =	vst v9;
	v4 =	vadd.f32 v4, v0  }
0xde: {  	v49 =	vld [tilespmem:$0x590];
	[tilespmem:$0x640] =	vst v10  }
0xdf: {  	v5 =	vmul.f32 v47, v47;
	[tilespmem:$0x640] =	vst v11;
	v1 =	vadd.f32 v1, v4  }
0xe0: {  	v50 =	vld [tilespmem:$0x5A0];
	[tilespmem:$0x640] =	vst v12  }
0xe1: {  	v7 =	vmul.f32 v48, v48;
	[tilespmem:$0x640] =	vst v13;
	v5 =	vadd.f32 v5, v1  }
0xe2: {  	v51 =	vld [tilespmem:$0x5B0];
	[tilespmem:$0x640] =	vst v14  }
0xe3: {  	v8 =	vmul.f32 v49, v49;
	[tilespmem:$0x640] =	vst v15;
	v7 =	vadd.f32 v7, v5  }
0xe4: {  	v52 =	vld [tilespmem:$0x5C0];
	[tilespmem:$0x640] =	vst v16  }
0xe5: {  	v54 =	vmul.f32 v50, v50;
	[tilespmem:$0x640] =	vst v40;
	v53 =	vadd.f32 v8, v7  }
0xe6: {  	v55 =	vld [tilespmem:$0x5D0];
	[tilespmem:$0x640] =	vst v43  }
0xe7: {  	v57 =	vmul.f32 v51, v51;
	[tilespmem:$0x640] =	vst v46;
	v56 =	vadd.f32 v54, v53  }
0xe8: {  	v58 =	vld [tilespmem:$0x5E0];
	[tilespmem:$0x640] =	vst v0  }
0xe9: {  	v60 =	vmul.f32 v52, v52;
	[tilespmem:$0x640] =	vst v4;
	v59 =	vadd.f32 v57, v56  }
0xea: {  	v61 =	vld [tilespmem:$0x5F0];
	[tilespmem:$0x640] =	vst v1  }
0xeb: {  	v6 =	vmul.f32 v55, v55;
	[tilespmem:$0x640] =	vst v5;
	v62 =	vadd.f32 v60, v59  }
0xec: {  	[tilespmem:$0x640] =	vst v7  }
0xed: {  	v0 =	vmul.f32 v58, v58;
	[tilespmem:$0x640] =	vst v53;
	v63 =	vadd.f32 v6, v62  }
0xee: {  	[tilespmem:$0x640] =	vst v56  }
0xef: {  	v1 =	vmul.f32 v61, v61;
	[tilespmem:$0x640] =	vst v59;
	v0 =	vadd.f32 v0, v63  }
0xf0: {  	[tilespmem:$0x640] =	vst v62  }
0xf1: {  	[tilespmem:$0x640] =	vst v63;
	v1 =	vadd.f32 v1, v0  }
0xf2: {  	[tilespmem:$0x640] =	vst v0  }
0xf3: {  	s1 =	sadd.s32 $0x600, s1;
	s31 =	simm.s32 $0x640;
	[tilespmem:$0x640] =	vst v1  }
0xf4: {  	[hbm4b:s1+s2] =	stream.linear.scatter [tilespmem:s31], [sflag:$0x1], $0x80, $0x38;
	[tilespmem:$0x6C0] =	vst v63  }
0xf5: {  	_ =	swait.ge [sflag:s3], $0x80  }
0xf6: {  	[sflag:s3] =	ssyncset.done $0x0  }
0xf7: {  	[sflag:s3] =	ssyncadd.s32 $0xFFFFFF80  }
0xf8: {  	_ =	sfence.sel $0x180000  }
0xf9: {  	[bflag:$0x0] =	sbarrier.arrive $0xFFFF  }
0xfa: {  	_ =	strace $0x90000047  }
0xfb: {  	s0 =	sadd.s32 $0x100000, s0;
	[bflag:$0x2] =	sbarrier.arrive $0xFFFF  }
0xfc: {  	[sflag:s0] =	ssyncadd.tile.s32 $0x1;
	_ =	shalt  }
.Lfunc_end2:
_tile_overlayer_lowered:
.L_overlay_start_2:
0xfd: {  	(tag) =	ssettag $0x2  }
0xfe: {  	s0 =	rddreg [dreg:$0x0];
	s2 =	stileid.u32  }
0xff: {  	s1 =	rddreg [dreg:$0x1];
	p0 =	sne.s32 s2, $0x0  }
0x100: {  	s3 =	rddreg [dreg:$0x2];
	[bflag:$0x3] =	sbarrier.arrive $0xFFFF;
	s2 =	simm.s32 @!p0 $0x1C01  }
0x101: {  	[timem:s3], [sflag:s2] =	dma.local @!p0 [hbm:s0], s1  }
0x102: {  	s0 =	simm.s32 @!p0 $0x1  }
0x103: {  	_ =	swait.ge @!p0 [sflag:s0], s1  }
0x104: {  	s1 =	ssub.s32 @!p0 $0x0, s1;
	[sflag:s0] =	ssyncset.done @!p0 $0x0  }
0x105: {  	[sflag:s0] =	ssyncadd.s32 @!p0 s1  }
0x106: {  	[bflag:$0x3] =	sbarrier.arrive $0xFFFF  }
0x107: {  	_ =	shalt  }

</sc_bundles>
